<compile_context>
chip_gen: v7x
topology: tpu7x:2x2x1
jax: 0.10.2.dev20260603
libtpu: 0.0.44.dev20260713+nightly
codegen_flags: <defaults>
</compile_context>

<pallas_src>
import functools

import jax
import jax.numpy as jnp
from jax import lax
from jax.experimental import pallas as pl
from jax.experimental.pallas import tpu as pltpu
from jax.experimental.pallas import tpu_sc as plsc

N = 16384
L = 16
CHUNKS = N // L
NEG_PAD = -1e30
POS_PAD = 1e30
MARGIN_C = 1.0
POS_BASE = N + 4 * L


def _sc_body(scores_h, combo_h, out_sum_h, out_cnt_h,
             sbuf, cbuf, pnbuf, stgf, stgi):
    g = lax.axis_index("s")
    h = lax.axis_index("c")
    wid = g * 2 + h

    pltpu.sync_copy(scores_h, sbuf)
    pltpu.sync_copy(combo_h, cbuf)

    half_lo = h * (CHUNKS // 2)
    half_hi = half_lo + (CHUNKS // 2)

    cneg = g * 2
    cpos = g * 2 + 1

    def both_step(base, noff, poff):
        sv = sbuf[pl.ds(base, L)]
        cv = cbuf[pl.ds(base, L)]
        mneg = cv == cneg
        mpos = cv == cpos
        csn = plsc.cumsum(mneg.astype(jnp.int32))
        csp = plsc.cumsum(mpos.astype(jnp.int32))
        idx = jnp.where(mneg, csn + (noff - 1), csp + (poff + POS_BASE - 1))
        plsc.store_scatter(pnbuf, [idx], sv, mask=mneg | mpos)
        return noff + csn[L - 1], poff + csp[L - 1]

    def both_body2(i, carry):
        noff, poff = carry
        noff, poff = both_step(i * 2 * L, noff, poff)
        return both_step(i * 2 * L + L, noff, poff)

    def neg_step(base, noff):
        sv = sbuf[pl.ds(base, L)]
        cv = cbuf[pl.ds(base, L)]
        mneg = cv == cneg
        csn = plsc.cumsum(mneg.astype(jnp.int32))
        plsc.store_scatter(pnbuf, [csn + (noff - 1)], sv, mask=mneg)
        return noff + csn[L - 1]

    def neg_body2(i, noff):
        noff = neg_step(i * 2 * L, noff)
        return neg_step(i * 2 * L + L, noff)

    noff, poff = lax.fori_loop(half_lo // 2, half_hi // 2, both_body2,
                               (0, 0))
    noff = lax.fori_loop(0, half_lo // 2, neg_body2, noff)
    noff = lax.fori_loop(half_hi // 2, CHUNKS // 2, neg_body2, noff)

    pnbuf[pl.ds(noff, L)] = jnp.full((L,), NEG_PAD, jnp.float32)
    pnbuf[pl.ds(noff + L, L)] = jnp.full((L,), NEG_PAD, jnp.float32)
    pnbuf[pl.ds(poff + POS_BASE, L)] = jnp.full((L,), POS_PAD, jnp.float32)

    npv = (poff + L - 1) // L
    nnv2 = (noff + 2 * L - 1) // (2 * L)

    zero = jnp.zeros((L,), jnp.float32)

    def p_body(ip, acc8):
        pv = pnbuf[pl.ds(ip * L + POS_BASE, L)]
        tvs = [jnp.broadcast_to(MARGIN_C - pv[k], (L,)) for k in range(L)]

        def n_body(j, a8):
            accs = list(a8)
            nv0 = pnbuf[pl.ds(j * 2 * L, L)]
            nv1 = pnbuf[pl.ds(j * 2 * L + L, L)]
            for k in range(L):
                accs[k % 8] = accs[k % 8] + jnp.maximum(nv0 + tvs[k], 0.0)
            for k in range(L):
                accs[(k + 4) % 8] = accs[(k + 4) % 8] + jnp.maximum(
                    nv1 + tvs[k], 0.0)
            return tuple(accs)

        return lax.fori_loop(0, nnv2, n_body, acc8)

    accs = lax.fori_loop(0, npv, p_body, (zero,) * 8)
    acc = ((accs[0] + accs[1]) + (accs[2] + accs[3])) + (
        (accs[4] + accs[5]) + (accs[6] + accs[7]))

    stgf[...] = acc
    pltpu.sync_copy(stgf, out_sum_h.at[wid])
    lanes = lax.iota(jnp.int32, L)
    cntv = jnp.where(lanes == 0, poff * noff, 0)
    stgi[...] = cntv
    pltpu.sync_copy(stgi, out_cnt_h.at[wid])


_sc_pairwise = functools.partial(
    pl.kernel,
    out_type=[
        jax.ShapeDtypeStruct((32, L), jnp.float32),
        jax.ShapeDtypeStruct((32, L), jnp.int32),
    ],
    mesh=plsc.VectorSubcoreMesh(core_axis_name="c", subcore_axis_name="s"),
    compiler_params=pltpu.CompilerParams(needs_layout_passes=False),
    scratch_types=[
        pltpu.VMEM((N,), jnp.float32),
        pltpu.VMEM((N,), jnp.int32),
        pltpu.VMEM((POS_BASE + N // 2 + 4 * L,), jnp.float32),
        pltpu.VMEM((L,), jnp.float32),
        pltpu.VMEM((L,), jnp.int32),
    ],
)(_sc_body)


def _tc_bce_body(s_ref, l_ref, o_ref):
    s = s_ref[...]
    lf = l_ref[...].astype(jnp.float32)
    bce = jnp.maximum(s, 0.0) - s * lf + jnp.log1p(jnp.exp(-jnp.abs(s)))
    o_ref[0, 0] = jnp.sum(bce)


def _tc_bce(scores2d, labels2d):
    return pl.pallas_call(
        _tc_bce_body,
        out_shape=jax.ShapeDtypeStruct((1, 1), jnp.float32),
        out_specs=pl.BlockSpec(memory_space=pltpu.SMEM),
    )(scores2d, labels2d)


def _tc_fin_body(b_ref, ps_ref, pc_ref, o_ref):
    bce_mean = b_ref[0, 0] / jnp.float32(N)
    psum = jnp.sum(ps_ref[...])
    pcnt = jnp.sum(pc_ref[...])
    rank = jnp.where(pcnt > 0, psum / pcnt.astype(jnp.float32),
                     jnp.float32(0.0))
    o_ref[0, 0] = bce_mean + rank


def _tc_fin(bce2d, psum2d, pcnt2d):
    return pl.pallas_call(
        _tc_fin_body,
        in_specs=[
            pl.BlockSpec(memory_space=pltpu.SMEM),
            pl.BlockSpec(memory_space=pltpu.VMEM),
            pl.BlockSpec(memory_space=pltpu.VMEM),
        ],
        out_shape=jax.ShapeDtypeStruct((1, 1), jnp.float32),
        out_specs=pl.BlockSpec(memory_space=pltpu.SMEM),
    )(bce2d, psum2d, pcnt2d)


def kernel(scores, labels, groups):
    combo = groups.astype(jnp.int32) * 2 + labels.astype(jnp.int32)
    bce = _tc_bce(scores.reshape(128, 128), labels.reshape(128, 128))
    psum, pcnt = _sc_pairwise(scores, combo)
    out = _tc_fin(bce, psum.reshape(4, 128), pcnt.reshape(4, 128))
    return out[0, 0]

# --- scband reference (transcript-rebuilt; emitter-appended) ---
"""Pipeline reference for scband-ranking-loss-35966056136816 (READ-ONLY COPY).

The authoritative reference and input builder live on the scoring server;
editing this copy changes nothing except your own understanding.
"""

import jax, jax.numpy as jnp
import numpy as np

MARGIN = 1.0

def setup_inputs(seed: int = 0) -> dict:
    key = jax.random.key(seed)
    k1, k2, k3 = jax.random.split(key, 3)
    scores = jax.random.normal(k1, (16384,), dtype=jnp.float32)
    labels = jax.random.randint(k2, (16384,), 0, 2)
    groups = jax.random.randint(k3, (16384,), 0, 16)
    return {"scores": scores, "labels": labels, "groups": groups}

def reference(scores, labels, groups):
    labels_f = labels.astype(jnp.float32)
    # BCEWithLogitsLoss (reduction='none'), numerically stable form
    bce = jnp.maximum(scores, 0.0) - scores * labels_f + jnp.log1p(jnp.exp(-jnp.abs(scores)))
    # group-wise pairwise ranking hinge loss: mean of max(MARGIN - (pos - neg), 0)
    # over all (positive, negative) pairs within the same group. Groups with a
    # single element contribute no pairs, so no separate skip is needed.
    neg_mask = (labels == 0)

    def body(carry, x):
        s_i, l_i, g_i = x
        pair_mask = (groups == g_i) & neg_mask & (l_i == 1)
        h = jnp.maximum(MARGIN - (s_i - scores), 0.0)
        acc_sum, acc_cnt = carry
        acc_sum = acc_sum + jnp.sum(jnp.where(pair_mask, h, 0.0))
        acc_cnt = acc_cnt + jnp.sum(pair_mask.astype(jnp.int32))
        return (acc_sum, acc_cnt), None

    (pair_sum, pair_cnt), _ = jax.lax.scan(
        body,
        (jnp.asarray(0.0, dtype=scores.dtype), jnp.asarray(0, dtype=jnp.int32)),
        (scores, labels, groups),
    )
    rank = jnp.where(
        pair_cnt > 0,
        pair_sum / pair_cnt.astype(scores.dtype),
        jnp.asarray(0.0, dtype=scores.dtype),
    )
    total = bce + rank
    return total.mean()

if __name__ == "__main__":
    import jax
    _d = setup_inputs()
    print(jax.jit(kernel)(*tuple(_d.values())))

</pallas_src>

<mosaic_0001>
#map = affine_map<(d0, d1) -> (0)>
#map1 = affine_map<(d0, d1) -> (0, 0)>
module attributes {stable_mosaic.version = 14 : i64} {
  func.func @_sc_body(%arg0: i32, %arg1: i32, %arg2: memref<16384xf32, #tpu.memory_space<hbm>>, %arg3: memref<16384xi32, #tpu.memory_space<hbm>>, %arg4: memref<32x16xf32, #tpu.memory_space<hbm>>, %arg5: memref<32x16xi32, #tpu.memory_space<hbm>>, %arg6: memref<16384xf32, #tpu.memory_space<vmem>>, %arg7: memref<16384xi32, #tpu.memory_space<vmem>>, %arg8: memref<24704xf32, #tpu.memory_space<vmem>>, %arg9: memref<16xf32, #tpu.memory_space<vmem>>, %arg10: memref<16xi32, #tpu.memory_space<vmem>>) attributes {dimension_semantics = [#tpu.dimension_semantics<core_parallel>, #tpu.dimension_semantics<subcore_parallel>], iteration_bounds = array<i64: 2, 16>, scalar_prefetch = 0 : i64, scratch_operands = 5 : i64, tpu.core_type = #tpu.core_type<sc_vector_subcore>, window_params = [{transform_indices = #map}, {transform_indices = #map}, {transform_indices = #map1}, {transform_indices = #map1}]} {
    %mul3A = arith.constant 2 : i32
    %mul3A_0 = arith.muli %arg1, %mul3A : i32
    %add3A = arith.addi %mul3A_0, %arg0 : i32
    "tpu.region"() ({
      %run_scoped3A = tpu.sem_alloc : memref<!tpu.dma_semaphore, #tpu.memory_space<semaphore_mem>>
      tpu.enqueue_dma source(%arg2 : memref<16384xf32, #tpu.memory_space<hbm>>) target(%arg6 : memref<16384xf32, #tpu.memory_space<vmem>>) target_semaphore(%run_scoped3A : memref<!tpu.dma_semaphore, #tpu.memory_space<semaphore_mem>>)
      tpu.wait_dma2 semaphore(%run_scoped3A : memref<!tpu.dma_semaphore, #tpu.memory_space<semaphore_mem>>) src(%arg2 : memref<16384xf32, #tpu.memory_space<hbm>>) dst(%arg6 : memref<16384xf32, #tpu.memory_space<vmem>>)
      tpu.yield
    }) : () -> ()
    "tpu.region"() ({
      %run_scoped3A = tpu.sem_alloc : memref<!tpu.dma_semaphore, #tpu.memory_space<semaphore_mem>>
      tpu.enqueue_dma source(%arg3 : memref<16384xi32, #tpu.memory_space<hbm>>) target(%arg7 : memref<16384xi32, #tpu.memory_space<vmem>>) target_semaphore(%run_scoped3A : memref<!tpu.dma_semaphore, #tpu.memory_space<semaphore_mem>>)
      tpu.wait_dma2 semaphore(%run_scoped3A : memref<!tpu.dma_semaphore, #tpu.memory_space<semaphore_mem>>) src(%arg3 : memref<16384xi32, #tpu.memory_space<hbm>>) dst(%arg7 : memref<16384xi32, #tpu.memory_space<vmem>>)
      tpu.yield
    }) : () -> ()
    %mul3A_1 = arith.constant 512 : i32
    %mul3A_2 = arith.muli %arg0, %mul3A_1 : i32
    %add3A_3 = arith.constant 512 : i32
    %add3A_4 = arith.addi %mul3A_2, %add3A_3 : i32
    %mul3A_5 = arith.constant 2 : i32
    %mul3A_6 = arith.muli %arg1, %mul3A_5 : i32
    %mul3A_7 = arith.constant 2 : i32
    %mul3A_8 = arith.muli %arg1, %mul3A_7 : i32
    %add3A_9 = arith.constant 1 : i32
    %add3A_10 = arith.addi %mul3A_8, %add3A_9 : i32
    %jit3A = arith.constant 2 : i32
    %div3A = arith.divsi %mul3A_2, %jit3A : i32
    %sign3A = arith.constant 0 : i32
    %sign3A_11 = arith.cmpi sgt, %mul3A_2, %sign3A : i32
    %sign3A_12 = arith.extui %sign3A_11 : i1 to i32
    %sign3A_13 = arith.constant 0 : i32
    %sign3A_14 = arith.cmpi slt, %mul3A_2, %sign3A_13 : i32
    %sign3A_15 = arith.extui %sign3A_14 : i1 to i32
    %sign3A_16 = arith.subi %sign3A_12, %sign3A_15 : i32
    %sign3A_17 = arith.constant 0 : i32
    %sign3A_18 = arith.cmpi sgt, %jit3A, %sign3A_17 : i32
    %sign3A_19 = arith.extui %sign3A_18 : i1 to i32
    %sign3A_20 = arith.constant 0 : i32
    %sign3A_21 = arith.cmpi slt, %jit3A, %sign3A_20 : i32
    %sign3A_22 = arith.extui %sign3A_21 : i1 to i32
    %sign3A_23 = arith.subi %sign3A_19, %sign3A_22 : i32
    %ne3A = arith.cmpi ne, %sign3A_16, %sign3A_23 : i32
    %rem3A = arith.remsi %mul3A_2, %jit3A : i32
    %ne3A_24 = arith.constant 0 : i32
    %ne3A_25 = arith.cmpi ne, %rem3A, %ne3A_24 : i32
    %and3A = arith.andi %ne3A, %ne3A_25 : i1
    %sub3A = arith.constant 1 : i32
    %sub3A_26 = arith.subi %div3A, %sub3A : i32
    %select_n3A = arith.select %and3A, %sub3A_26, %div3A : i32
    %jit3A_27 = arith.constant 2 : i32
    %div3A_28 = arith.divsi %add3A_4, %jit3A_27 : i32
    %sign3A_29 = arith.constant 0 : i32
    %sign3A_30 = arith.cmpi sgt, %add3A_4, %sign3A_29 : i32
    %sign3A_31 = arith.extui %sign3A_30 : i1 to i32
    %sign3A_32 = arith.constant 0 : i32
    %sign3A_33 = arith.cmpi slt, %add3A_4, %sign3A_32 : i32
    %sign3A_34 = arith.extui %sign3A_33 : i1 to i32
    %sign3A_35 = arith.subi %sign3A_31, %sign3A_34 : i32
    %sign3A_36 = arith.constant 0 : i32
    %sign3A_37 = arith.cmpi sgt, %jit3A_27, %sign3A_36 : i32
    %sign3A_38 = arith.extui %sign3A_37 : i1 to i32
    %sign3A_39 = arith.constant 0 : i32
    %sign3A_40 = arith.cmpi slt, %jit3A_27, %sign3A_39 : i32
    %sign3A_41 = arith.extui %sign3A_40 : i1 to i32
    %sign3A_42 = arith.subi %sign3A_38, %sign3A_41 : i32
    %ne3A_43 = arith.cmpi ne, %sign3A_35, %sign3A_42 : i32
    %rem3A_44 = arith.remsi %add3A_4, %jit3A_27 : i32
    %ne3A_45 = arith.constant 0 : i32
    %ne3A_46 = arith.cmpi ne, %rem3A_44, %ne3A_45 : i32
    %and3A_47 = arith.andi %ne3A_43, %ne3A_46 : i1
    %sub3A_48 = arith.constant 1 : i32
    %sub3A_49 = arith.subi %div3A_28, %sub3A_48 : i32
    %select_n3A_50 = arith.select %and3A_47, %sub3A_49, %div3A_28 : i32
    %while3A = arith.constant 0 : i32
    %while3A_51 = arith.constant 0 : i32
    %while3A_52 = arith.subi %select_n3A_50, %select_n3A : i32
    %while3A_53 = arith.addi %select_n3A, %while3A_52 : i32
    %while3A_54 = arith.constant 1 : i32
    %while3A_55 = arith.divsi %while3A_52, %while3A_54 : i32
    %while3A_56 = arith.muli %while3A_55, %while3A_54 : i32
    %while3A_57 = arith.addi %select_n3A, %while3A_56 : i32
    %while3A_58 = arith.constant 1 : i32
    %while3A_59:2 = scf.for %while3A_233 = %select_n3A to %while3A_57 step %while3A_58 iter_args(%while3A_234 = %while3A, %while3A_235 = %while3A_51) -> (i32, i32)  : i32 {
      %mul3A_236 = arith.constant 2 : i32
      %mul3A_237 = arith.muli %while3A_233, %mul3A_236 : i32
      %mul3A_238 = arith.constant 16 : i32
      %mul3A_239 = arith.muli %mul3A_237, %mul3A_238 : i32
      %get3A = arith.index_cast %mul3A_239 : i32 to index
      %get3A_240 = tpu.vector_load %arg6[%get3A] {strides = array<i32>} : memref<16384xf32, #tpu.memory_space<vmem>>, vector<16xf32>,
      %get3A_241 = arith.index_cast %mul3A_239 : i32 to index
      %get3A_242 = tpu.vector_load %arg7[%get3A_241] {strides = array<i32>} : memref<16384xi32, #tpu.memory_space<vmem>>, vector<16xi32>,
      %eq3A_243 = vector.broadcast %mul3A_6 : i32 to vector<16xi32>
      %eq3A_244 = arith.cmpi eq, %get3A_242, %eq3A_243 : vector<16xi32>
      %eq3A_245 = vector.broadcast %add3A_10 : i32 to vector<16xi32>
      %eq3A_246 = arith.cmpi eq, %get3A_242, %eq3A_245 : vector<16xi32>
      %convert_element_type3A = arith.extui %eq3A_244 : vector<16xi1> to vector<16xi32>
      %broadcast_in_dim3A_247 = arith.constant true
      %broadcast_in_dim3A_248 = vector.broadcast %broadcast_in_dim3A_247 : i1 to vector<16xi1>
      %masked_cumsum3A = tpu.scan <sum>, %convert_element_type3A masked %broadcast_in_dim3A_248 : vector<16xi32>, vector<16xi1> -> vector<16xi32>
      %convert_element_type3A_249 = arith.extui %eq3A_246 : vector<16xi1> to vector<16xi32>
      %broadcast_in_dim3A_250 = arith.constant true
      %broadcast_in_dim3A_251 = vector.broadcast %broadcast_in_dim3A_250 : i1 to vector<16xi1>
      %masked_cumsum3A_252 = tpu.scan <sum>, %convert_element_type3A_249 masked %broadcast_in_dim3A_251 : vector<16xi32>, vector<16xi1> -> vector<16xi32>
      %sub3A_253 = arith.constant 1 : i32
      %sub3A_254 = arith.subi %while3A_234, %sub3A_253 : i32
      %add3A_255 = vector.broadcast %sub3A_254 : i32 to vector<16xi32>
      %add3A_256 = arith.addi %masked_cumsum3A, %add3A_255 : vector<16xi32>
      %add3A_257 = arith.constant 16448 : i32
      %add3A_258 = arith.addi %while3A_235, %add3A_257 : i32
      %sub3A_259 = arith.constant 1 : i32
      %sub3A_260 = arith.subi %add3A_258, %sub3A_259 : i32
      %add3A_261 = vector.broadcast %sub3A_260 : i32 to vector<16xi32>
      %add3A_262 = arith.addi %masked_cumsum3A_252, %add3A_261 : vector<16xi32>
      %select_n3A_263 = arith.select %eq3A_244, %add3A_256, %add3A_262 : vector<16xi1>, vector<16xi32>
      %or3A = arith.ori %eq3A_244, %eq3A_246 : vector<16xi1>
      tpu.vector_store_idx %arg8[%select_n3A_263], %get3A_240 masked %or3A : memref<24704xf32, #tpu.memory_space<vmem>>[vector<16xi32>], vector<16xf32>, vector<16xi1>
      %slice3A = vector.extract_strided_slice %masked_cumsum3A {offsets = [15], sizes = [1], strides = [1]} : vector<16xi32> to vector<1xi32>
      %squeeze3A = vector.extract %slice3A[0] : i32 from vector<1xi32>
      %add3A_264 = arith.addi %while3A_234, %squeeze3A : i32
      %slice3A_265 = vector.extract_strided_slice %masked_cumsum3A_252 {offsets = [15], sizes = [1], strides = [1]} : vector<16xi32> to vector<1xi32>
      %squeeze3A_266 = vector.extract %slice3A_265[0] : i32 from vector<1xi32>
      %add3A_267 = arith.addi %while3A_235, %squeeze3A_266 : i32
      %mul3A_268 = arith.constant 2 : i32
      %mul3A_269 = arith.muli %while3A_233, %mul3A_268 : i32
      %mul3A_270 = arith.constant 16 : i32
      %mul3A_271 = arith.muli %mul3A_269, %mul3A_270 : i32
      %add3A_272 = arith.constant 16 : i32
      %add3A_273 = arith.addi %mul3A_271, %add3A_272 : i32
      %get3A_274 = arith.index_cast %add3A_273 : i32 to index
      %get3A_275 = tpu.vector_load %arg6[%get3A_274] {strides = array<i32>} : memref<16384xf32, #tpu.memory_space<vmem>>, vector<16xf32>,
      %get3A_276 = arith.index_cast %add3A_273 : i32 to index
      %get3A_277 = tpu.vector_load %arg7[%get3A_276] {strides = array<i32>} : memref<16384xi32, #tpu.memory_space<vmem>>, vector<16xi32>,
      %eq3A_278 = vector.broadcast %mul3A_6 : i32 to vector<16xi32>
      %eq3A_279 = arith.cmpi eq, %get3A_277, %eq3A_278 : vector<16xi32>
      %eq3A_280 = vector.broadcast %add3A_10 : i32 to vector<16xi32>
      %eq3A_281 = arith.cmpi eq, %get3A_277, %eq3A_280 : vector<16xi32>
      %convert_element_type3A_282 = arith.extui %eq3A_279 : vector<16xi1> to vector<16xi32>
      %broadcast_in_dim3A_283 = arith.constant true
      %broadcast_in_dim3A_284 = vector.broadcast %broadcast_in_dim3A_283 : i1 to vector<16xi1>
      %masked_cumsum3A_285 = tpu.scan <sum>, %convert_element_type3A_282 masked %broadcast_in_dim3A_284 : vector<16xi32>, vector<16xi1> -> vector<16xi32>
      %convert_element_type3A_286 = arith.extui %eq3A_281 : vector<16xi1> to vector<16xi32>
      %broadcast_in_dim3A_287 = arith.constant true
      %broadcast_in_dim3A_288 = vector.broadcast %broadcast_in_dim3A_287 : i1 to vector<16xi1>
      %masked_cumsum3A_289 = tpu.scan <sum>, %convert_element_type3A_286 masked %broadcast_in_dim3A_288 : vector<16xi32>, vector<16xi1> -> vector<16xi32>
      %sub3A_290 = arith.constant 1 : i32
      %sub3A_291 = arith.subi %add3A_264, %sub3A_290 : i32
      %add3A_292 = vector.broadcast %sub3A_291 : i32 to vector<16xi32>
      %add3A_293 = arith.addi %masked_cumsum3A_285, %add3A_292 : vector<16xi32>
      %add3A_294 = arith.constant 16448 : i32
      %add3A_295 = arith.addi %add3A_267, %add3A_294 : i32
      %sub3A_296 = arith.constant 1 : i32
      %sub3A_297 = arith.subi %add3A_295, %sub3A_296 : i32
      %add3A_298 = vector.broadcast %sub3A_297 : i32 to vector<16xi32>
      %add3A_299 = arith.addi %masked_cumsum3A_289, %add3A_298 : vector<16xi32>
      %select_n3A_300 = arith.select %eq3A_279, %add3A_293, %add3A_299 : vector<16xi1>, vector<16xi32>
      %or3A_301 = arith.ori %eq3A_279, %eq3A_281 : vector<16xi1>
      tpu.vector_store_idx %arg8[%select_n3A_300], %get3A_275 masked %or3A_301 : memref<24704xf32, #tpu.memory_space<vmem>>[vector<16xi32>], vector<16xf32>, vector<16xi1>
      %slice3A_302 = vector.extract_strided_slice %masked_cumsum3A_285 {offsets = [15], sizes = [1], strides = [1]} : vector<16xi32> to vector<1xi32>
      %squeeze3A_303 = vector.extract %slice3A_302[0] : i32 from vector<1xi32>
      %add3A_304 = arith.addi %add3A_264, %squeeze3A_303 : i32
      %slice3A_305 = vector.extract_strided_slice %masked_cumsum3A_289 {offsets = [15], sizes = [1], strides = [1]} : vector<16xi32> to vector<1xi32>
      %squeeze3A_306 = vector.extract %slice3A_305[0] : i32 from vector<1xi32>
      %add3A_307 = arith.addi %add3A_267, %squeeze3A_306 : i32
      scf.yield %add3A_304, %add3A_307 : i32, i32
    }
    %while3A_60 = arith.constant 1 : i32
    %while3A_61:2 = scf.for %while3A_233 = %while3A_57 to %while3A_53 step %while3A_60 iter_args(%while3A_234 = %while3A_59#0, %while3A_235 = %while3A_59#1) -> (i32, i32)  : i32 {
      %mul3A_236 = arith.constant 2 : i32
      %mul3A_237 = arith.muli %while3A_233, %mul3A_236 : i32
      %mul3A_238 = arith.constant 16 : i32
      %mul3A_239 = arith.muli %mul3A_237, %mul3A_238 : i32
      %get3A = arith.index_cast %mul3A_239 : i32 to index
      %get3A_240 = tpu.vector_load %arg6[%get3A] {strides = array<i32>} : memref<16384xf32, #tpu.memory_space<vmem>>, vector<16xf32>,
      %get3A_241 = arith.index_cast %mul3A_239 : i32 to index
      %get3A_242 = tpu.vector_load %arg7[%get3A_241] {strides = array<i32>} : memref<16384xi32, #tpu.memory_space<vmem>>, vector<16xi32>,
      %eq3A_243 = vector.broadcast %mul3A_6 : i32 to vector<16xi32>
      %eq3A_244 = arith.cmpi eq, %get3A_242, %eq3A_243 : vector<16xi32>
      %eq3A_245 = vector.broadcast %add3A_10 : i32 to vector<16xi32>
      %eq3A_246 = arith.cmpi eq, %get3A_242, %eq3A_245 : vector<16xi32>
      %convert_element_type3A = arith.extui %eq3A_244 : vector<16xi1> to vector<16xi32>
      %broadcast_in_dim3A_247 = arith.constant true
      %broadcast_in_dim3A_248 = vector.broadcast %broadcast_in_dim3A_247 : i1 to vector<16xi1>
      %masked_cumsum3A = tpu.scan <sum>, %convert_element_type3A masked %broadcast_in_dim3A_248 : vector<16xi32>, vector<16xi1> -> vector<16xi32>
      %convert_element_type3A_249 = arith.extui %eq3A_246 : vector<16xi1> to vector<16xi32>
      %broadcast_in_dim3A_250 = arith.constant true
      %broadcast_in_dim3A_251 = vector.broadcast %broadcast_in_dim3A_250 : i1 to vector<16xi1>
      %masked_cumsum3A_252 = tpu.scan <sum>, %convert_element_type3A_249 masked %broadcast_in_dim3A_251 : vector<16xi32>, vector<16xi1> -> vector<16xi32>
      %sub3A_253 = arith.constant 1 : i32
      %sub3A_254 = arith.subi %while3A_234, %sub3A_253 : i32
      %add3A_255 = vector.broadcast %sub3A_254 : i32 to vector<16xi32>
      %add3A_256 = arith.addi %masked_cumsum3A, %add3A_255 : vector<16xi32>
      %add3A_257 = arith.constant 16448 : i32
      %add3A_258 = arith.addi %while3A_235, %add3A_257 : i32
      %sub3A_259 = arith.constant 1 : i32
      %sub3A_260 = arith.subi %add3A_258, %sub3A_259 : i32
      %add3A_261 = vector.broadcast %sub3A_260 : i32 to vector<16xi32>
      %add3A_262 = arith.addi %masked_cumsum3A_252, %add3A_261 : vector<16xi32>
      %select_n3A_263 = arith.select %eq3A_244, %add3A_256, %add3A_262 : vector<16xi1>, vector<16xi32>
      %or3A = arith.ori %eq3A_244, %eq3A_246 : vector<16xi1>
      tpu.vector_store_idx %arg8[%select_n3A_263], %get3A_240 masked %or3A : memref<24704xf32, #tpu.memory_space<vmem>>[vector<16xi32>], vector<16xf32>, vector<16xi1>
      %slice3A = vector.extract_strided_slice %masked_cumsum3A {offsets = [15], sizes = [1], strides = [1]} : vector<16xi32> to vector<1xi32>
      %squeeze3A = vector.extract %slice3A[0] : i32 from vector<1xi32>
      %add3A_264 = arith.addi %while3A_234, %squeeze3A : i32
      %slice3A_265 = vector.extract_strided_slice %masked_cumsum3A_252 {offsets = [15], sizes = [1], strides = [1]} : vector<16xi32> to vector<1xi32>
      %squeeze3A_266 = vector.extract %slice3A_265[0] : i32 from vector<1xi32>
      %add3A_267 = arith.addi %while3A_235, %squeeze3A_266 : i32
      %mul3A_268 = arith.constant 2 : i32
      %mul3A_269 = arith.muli %while3A_233, %mul3A_268 : i32
      %mul3A_270 = arith.constant 16 : i32
      %mul3A_271 = arith.muli %mul3A_269, %mul3A_270 : i32
      %add3A_272 = arith.constant 16 : i32
      %add3A_273 = arith.addi %mul3A_271, %add3A_272 : i32
      %get3A_274 = arith.index_cast %add3A_273 : i32 to index
      %get3A_275 = tpu.vector_load %arg6[%get3A_274] {strides = array<i32>} : memref<16384xf32, #tpu.memory_space<vmem>>, vector<16xf32>,
      %get3A_276 = arith.index_cast %add3A_273 : i32 to index
      %get3A_277 = tpu.vector_load %arg7[%get3A_276] {strides = array<i32>} : memref<16384xi32, #tpu.memory_space<vmem>>, vector<16xi32>,
      %eq3A_278 = vector.broadcast %mul3A_6 : i32 to vector<16xi32>
      %eq3A_279 = arith.cmpi eq, %get3A_277, %eq3A_278 : vector<16xi32>
      %eq3A_280 = vector.broadcast %add3A_10 : i32 to vector<16xi32>
      %eq3A_281 = arith.cmpi eq, %get3A_277, %eq3A_280 : vector<16xi32>
      %convert_element_type3A_282 = arith.extui %eq3A_279 : vector<16xi1> to vector<16xi32>
      %broadcast_in_dim3A_283 = arith.constant true
      %broadcast_in_dim3A_284 = vector.broadcast %broadcast_in_dim3A_283 : i1 to vector<16xi1>
      %masked_cumsum3A_285 = tpu.scan <sum>, %convert_element_type3A_282 masked %broadcast_in_dim3A_284 : vector<16xi32>, vector<16xi1> -> vector<16xi32>
      %convert_element_type3A_286 = arith.extui %eq3A_281 : vector<16xi1> to vector<16xi32>
      %broadcast_in_dim3A_287 = arith.constant true
      %broadcast_in_dim3A_288 = vector.broadcast %broadcast_in_dim3A_287 : i1 to vector<16xi1>
      %masked_cumsum3A_289 = tpu.scan <sum>, %convert_element_type3A_286 masked %broadcast_in_dim3A_288 : vector<16xi32>, vector<16xi1> -> vector<16xi32>
      %sub3A_290 = arith.constant 1 : i32
      %sub3A_291 = arith.subi %add3A_264, %sub3A_290 : i32
      %add3A_292 = vector.broadcast %sub3A_291 : i32 to vector<16xi32>
      %add3A_293 = arith.addi %masked_cumsum3A_285, %add3A_292 : vector<16xi32>
      %add3A_294 = arith.constant 16448 : i32
      %add3A_295 = arith.addi %add3A_267, %add3A_294 : i32
      %sub3A_296 = arith.constant 1 : i32
      %sub3A_297 = arith.subi %add3A_295, %sub3A_296 : i32
      %add3A_298 = vector.broadcast %sub3A_297 : i32 to vector<16xi32>
      %add3A_299 = arith.addi %masked_cumsum3A_289, %add3A_298 : vector<16xi32>
      %select_n3A_300 = arith.select %eq3A_279, %add3A_293, %add3A_299 : vector<16xi1>, vector<16xi32>
      %or3A_301 = arith.ori %eq3A_279, %eq3A_281 : vector<16xi1>
      tpu.vector_store_idx %arg8[%select_n3A_300], %get3A_275 masked %or3A_301 : memref<24704xf32, #tpu.memory_space<vmem>>[vector<16xi32>], vector<16xf32>, vector<16xi1>
      %slice3A_302 = vector.extract_strided_slice %masked_cumsum3A_285 {offsets = [15], sizes = [1], strides = [1]} : vector<16xi32> to vector<1xi32>
      %squeeze3A_303 = vector.extract %slice3A_302[0] : i32 from vector<1xi32>
      %add3A_304 = arith.addi %add3A_264, %squeeze3A_303 : i32
      %slice3A_305 = vector.extract_strided_slice %masked_cumsum3A_289 {offsets = [15], sizes = [1], strides = [1]} : vector<16xi32> to vector<1xi32>
      %squeeze3A_306 = vector.extract %slice3A_305[0] : i32 from vector<1xi32>
      %add3A_307 = arith.addi %add3A_267, %squeeze3A_306 : i32
      scf.yield %add3A_304, %add3A_307 : i32, i32
    }
    %jit3A_62 = arith.constant 2 : i32
    %div3A_63 = arith.divsi %mul3A_2, %jit3A_62 : i32
    %sign3A_64 = arith.constant 0 : i32
    %sign3A_65 = arith.cmpi sgt, %mul3A_2, %sign3A_64 : i32
    %sign3A_66 = arith.extui %sign3A_65 : i1 to i32
    %sign3A_67 = arith.constant 0 : i32
    %sign3A_68 = arith.cmpi slt, %mul3A_2, %sign3A_67 : i32
    %sign3A_69 = arith.extui %sign3A_68 : i1 to i32
    %sign3A_70 = arith.subi %sign3A_66, %sign3A_69 : i32
    %sign3A_71 = arith.constant 0 : i32
    %sign3A_72 = arith.cmpi sgt, %jit3A_62, %sign3A_71 : i32
    %sign3A_73 = arith.extui %sign3A_72 : i1 to i32
    %sign3A_74 = arith.constant 0 : i32
    %sign3A_75 = arith.cmpi slt, %jit3A_62, %sign3A_74 : i32
    %sign3A_76 = arith.extui %sign3A_75 : i1 to i32
    %sign3A_77 = arith.subi %sign3A_73, %sign3A_76 : i32
    %ne3A_78 = arith.cmpi ne, %sign3A_70, %sign3A_77 : i32
    %rem3A_79 = arith.remsi %mul3A_2, %jit3A_62 : i32
    %ne3A_80 = arith.constant 0 : i32
    %ne3A_81 = arith.cmpi ne, %rem3A_79, %ne3A_80 : i32
    %and3A_82 = arith.andi %ne3A_78, %ne3A_81 : i1
    %sub3A_83 = arith.constant 1 : i32
    %sub3A_84 = arith.subi %div3A_63, %sub3A_83 : i32
    %select_n3A_85 = arith.select %and3A_82, %sub3A_84, %div3A_63 : i32
    %while3A_86 = arith.constant 0 : i32
    %while3A_87 = arith.subi %select_n3A_85, %while3A_86 : i32
    %while3A_88 = arith.addi %while3A_86, %while3A_87 : i32
    %while3A_89 = arith.constant 1 : i32
    %while3A_90 = arith.divsi %while3A_87, %while3A_89 : i32
    %while3A_91 = arith.muli %while3A_90, %while3A_89 : i32
    %while3A_92 = arith.addi %while3A_86, %while3A_91 : i32
    %while3A_93 = arith.constant 1 : i32
    %while3A_94 = scf.for %while3A_233 = %while3A_86 to %while3A_92 step %while3A_93 iter_args(%while3A_234 = %while3A_61#0) -> (i32)  : i32 {
      %mul3A_235 = arith.constant 2 : i32
      %mul3A_236 = arith.muli %while3A_233, %mul3A_235 : i32
      %mul3A_237 = arith.constant 16 : i32
      %mul3A_238 = arith.muli %mul3A_236, %mul3A_237 : i32
      %get3A = arith.index_cast %mul3A_238 : i32 to index
      %get3A_239 = tpu.vector_load %arg6[%get3A] {strides = array<i32>} : memref<16384xf32, #tpu.memory_space<vmem>>, vector<16xf32>,
      %get3A_240 = arith.index_cast %mul3A_238 : i32 to index
      %get3A_241 = tpu.vector_load %arg7[%get3A_240] {strides = array<i32>} : memref<16384xi32, #tpu.memory_space<vmem>>, vector<16xi32>,
      %eq3A_242 = vector.broadcast %mul3A_6 : i32 to vector<16xi32>
      %eq3A_243 = arith.cmpi eq, %get3A_241, %eq3A_242 : vector<16xi32>
      %convert_element_type3A = arith.extui %eq3A_243 : vector<16xi1> to vector<16xi32>
      %broadcast_in_dim3A_244 = arith.constant true
      %broadcast_in_dim3A_245 = vector.broadcast %broadcast_in_dim3A_244 : i1 to vector<16xi1>
      %masked_cumsum3A = tpu.scan <sum>, %convert_element_type3A masked %broadcast_in_dim3A_245 : vector<16xi32>, vector<16xi1> -> vector<16xi32>
      %sub3A_246 = arith.constant 1 : i32
      %sub3A_247 = arith.subi %while3A_234, %sub3A_246 : i32
      %add3A_248 = vector.broadcast %sub3A_247 : i32 to vector<16xi32>
      %add3A_249 = arith.addi %masked_cumsum3A, %add3A_248 : vector<16xi32>
      tpu.vector_store_idx %arg8[%add3A_249], %get3A_239 masked %eq3A_243 : memref<24704xf32, #tpu.memory_space<vmem>>[vector<16xi32>], vector<16xf32>, vector<16xi1>
      %slice3A = vector.extract_strided_slice %masked_cumsum3A {offsets = [15], sizes = [1], strides = [1]} : vector<16xi32> to vector<1xi32>
      %squeeze3A = vector.extract %slice3A[0] : i32 from vector<1xi32>
      %add3A_250 = arith.addi %while3A_234, %squeeze3A : i32
      %mul3A_251 = arith.constant 2 : i32
      %mul3A_252 = arith.muli %while3A_233, %mul3A_251 : i32
      %mul3A_253 = arith.constant 16 : i32
      %mul3A_254 = arith.muli %mul3A_252, %mul3A_253 : i32
      %add3A_255 = arith.constant 16 : i32
      %add3A_256 = arith.addi %mul3A_254, %add3A_255 : i32
      %get3A_257 = arith.index_cast %add3A_256 : i32 to index
      %get3A_258 = tpu.vector_load %arg6[%get3A_257] {strides = array<i32>} : memref<16384xf32, #tpu.memory_space<vmem>>, vector<16xf32>,
      %get3A_259 = arith.index_cast %add3A_256 : i32 to index
      %get3A_260 = tpu.vector_load %arg7[%get3A_259] {strides = array<i32>} : memref<16384xi32, #tpu.memory_space<vmem>>, vector<16xi32>,
      %eq3A_261 = vector.broadcast %mul3A_6 : i32 to vector<16xi32>
      %eq3A_262 = arith.cmpi eq, %get3A_260, %eq3A_261 : vector<16xi32>
      %convert_element_type3A_263 = arith.extui %eq3A_262 : vector<16xi1> to vector<16xi32>
      %broadcast_in_dim3A_264 = arith.constant true
      %broadcast_in_dim3A_265 = vector.broadcast %broadcast_in_dim3A_264 : i1 to vector<16xi1>
      %masked_cumsum3A_266 = tpu.scan <sum>, %convert_element_type3A_263 masked %broadcast_in_dim3A_265 : vector<16xi32>, vector<16xi1> -> vector<16xi32>
      %sub3A_267 = arith.constant 1 : i32
      %sub3A_268 = arith.subi %add3A_250, %sub3A_267 : i32
      %add3A_269 = vector.broadcast %sub3A_268 : i32 to vector<16xi32>
      %add3A_270 = arith.addi %masked_cumsum3A_266, %add3A_269 : vector<16xi32>
      tpu.vector_store_idx %arg8[%add3A_270], %get3A_258 masked %eq3A_262 : memref<24704xf32, #tpu.memory_space<vmem>>[vector<16xi32>], vector<16xf32>, vector<16xi1>
      %slice3A_271 = vector.extract_strided_slice %masked_cumsum3A_266 {offsets = [15], sizes = [1], strides = [1]} : vector<16xi32> to vector<1xi32>
      %squeeze3A_272 = vector.extract %slice3A_271[0] : i32 from vector<1xi32>
      %add3A_273 = arith.addi %add3A_250, %squeeze3A_272 : i32
      scf.yield %add3A_273 : i32
    }
    %while3A_95 = arith.constant 1 : i32
    %while3A_96 = scf.for %while3A_233 = %while3A_92 to %while3A_88 step %while3A_95 iter_args(%while3A_234 = %while3A_94) -> (i32)  : i32 {
      %mul3A_235 = arith.constant 2 : i32
      %mul3A_236 = arith.muli %while3A_233, %mul3A_235 : i32
      %mul3A_237 = arith.constant 16 : i32
      %mul3A_238 = arith.muli %mul3A_236, %mul3A_237 : i32
      %get3A = arith.index_cast %mul3A_238 : i32 to index
      %get3A_239 = tpu.vector_load %arg6[%get3A] {strides = array<i32>} : memref<16384xf32, #tpu.memory_space<vmem>>, vector<16xf32>,
      %get3A_240 = arith.index_cast %mul3A_238 : i32 to index
      %get3A_241 = tpu.vector_load %arg7[%get3A_240] {strides = array<i32>} : memref<16384xi32, #tpu.memory_space<vmem>>, vector<16xi32>,
      %eq3A_242 = vector.broadcast %mul3A_6 : i32 to vector<16xi32>
      %eq3A_243 = arith.cmpi eq, %get3A_241, %eq3A_242 : vector<16xi32>
      %convert_element_type3A = arith.extui %eq3A_243 : vector<16xi1> to vector<16xi32>
      %broadcast_in_dim3A_244 = arith.constant true
      %broadcast_in_dim3A_245 = vector.broadcast %broadcast_in_dim3A_244 : i1 to vector<16xi1>
      %masked_cumsum3A = tpu.scan <sum>, %convert_element_type3A masked %broadcast_in_dim3A_245 : vector<16xi32>, vector<16xi1> -> vector<16xi32>
      %sub3A_246 = arith.constant 1 : i32
      %sub3A_247 = arith.subi %while3A_234, %sub3A_246 : i32
      %add3A_248 = vector.broadcast %sub3A_247 : i32 to vector<16xi32>
      %add3A_249 = arith.addi %masked_cumsum3A, %add3A_248 : vector<16xi32>
      tpu.vector_store_idx %arg8[%add3A_249], %get3A_239 masked %eq3A_243 : memref<24704xf32, #tpu.memory_space<vmem>>[vector<16xi32>], vector<16xf32>, vector<16xi1>
      %slice3A = vector.extract_strided_slice %masked_cumsum3A {offsets = [15], sizes = [1], strides = [1]} : vector<16xi32> to vector<1xi32>
      %squeeze3A = vector.extract %slice3A[0] : i32 from vector<1xi32>
      %add3A_250 = arith.addi %while3A_234, %squeeze3A : i32
      %mul3A_251 = arith.constant 2 : i32
      %mul3A_252 = arith.muli %while3A_233, %mul3A_251 : i32
      %mul3A_253 = arith.constant 16 : i32
      %mul3A_254 = arith.muli %mul3A_252, %mul3A_253 : i32
      %add3A_255 = arith.constant 16 : i32
      %add3A_256 = arith.addi %mul3A_254, %add3A_255 : i32
      %get3A_257 = arith.index_cast %add3A_256 : i32 to index
      %get3A_258 = tpu.vector_load %arg6[%get3A_257] {strides = array<i32>} : memref<16384xf32, #tpu.memory_space<vmem>>, vector<16xf32>,
      %get3A_259 = arith.index_cast %add3A_256 : i32 to index
      %get3A_260 = tpu.vector_load %arg7[%get3A_259] {strides = array<i32>} : memref<16384xi32, #tpu.memory_space<vmem>>, vector<16xi32>,
      %eq3A_261 = vector.broadcast %mul3A_6 : i32 to vector<16xi32>
      %eq3A_262 = arith.cmpi eq, %get3A_260, %eq3A_261 : vector<16xi32>
      %convert_element_type3A_263 = arith.extui %eq3A_262 : vector<16xi1> to vector<16xi32>
      %broadcast_in_dim3A_264 = arith.constant true
      %broadcast_in_dim3A_265 = vector.broadcast %broadcast_in_dim3A_264 : i1 to vector<16xi1>
      %masked_cumsum3A_266 = tpu.scan <sum>, %convert_element_type3A_263 masked %broadcast_in_dim3A_265 : vector<16xi32>, vector<16xi1> -> vector<16xi32>
      %sub3A_267 = arith.constant 1 : i32
      %sub3A_268 = arith.subi %add3A_250, %sub3A_267 : i32
      %add3A_269 = vector.broadcast %sub3A_268 : i32 to vector<16xi32>
      %add3A_270 = arith.addi %masked_cumsum3A_266, %add3A_269 : vector<16xi32>
      tpu.vector_store_idx %arg8[%add3A_270], %get3A_258 masked %eq3A_262 : memref<24704xf32, #tpu.memory_space<vmem>>[vector<16xi32>], vector<16xf32>, vector<16xi1>
      %slice3A_271 = vector.extract_strided_slice %masked_cumsum3A_266 {offsets = [15], sizes = [1], strides = [1]} : vector<16xi32> to vector<1xi32>
      %squeeze3A_272 = vector.extract %slice3A_271[0] : i32 from vector<1xi32>
      %add3A_273 = arith.addi %add3A_250, %squeeze3A_272 : i32
      scf.yield %add3A_273 : i32
    }
    %jit3A_97 = arith.constant 2 : i32
    %div3A_98 = arith.divsi %add3A_4, %jit3A_97 : i32
    %sign3A_99 = arith.constant 0 : i32
    %sign3A_100 = arith.cmpi sgt, %add3A_4, %sign3A_99 : i32
    %sign3A_101 = arith.extui %sign3A_100 : i1 to i32
    %sign3A_102 = arith.constant 0 : i32
    %sign3A_103 = arith.cmpi slt, %add3A_4, %sign3A_102 : i32
    %sign3A_104 = arith.extui %sign3A_103 : i1 to i32
    %sign3A_105 = arith.subi %sign3A_101, %sign3A_104 : i32
    %sign3A_106 = arith.constant 0 : i32
    %sign3A_107 = arith.cmpi sgt, %jit3A_97, %sign3A_106 : i32
    %sign3A_108 = arith.extui %sign3A_107 : i1 to i32
    %sign3A_109 = arith.constant 0 : i32
    %sign3A_110 = arith.cmpi slt, %jit3A_97, %sign3A_109 : i32
    %sign3A_111 = arith.extui %sign3A_110 : i1 to i32
    %sign3A_112 = arith.subi %sign3A_108, %sign3A_111 : i32
    %ne3A_113 = arith.cmpi ne, %sign3A_105, %sign3A_112 : i32
    %rem3A_114 = arith.remsi %add3A_4, %jit3A_97 : i32
    %ne3A_115 = arith.constant 0 : i32
    %ne3A_116 = arith.cmpi ne, %rem3A_114, %ne3A_115 : i32
    %and3A_117 = arith.andi %ne3A_113, %ne3A_116 : i1
    %sub3A_118 = arith.constant 1 : i32
    %sub3A_119 = arith.subi %div3A_98, %sub3A_118 : i32
    %select_n3A_120 = arith.select %and3A_117, %sub3A_119, %div3A_98 : i32
    %while3A_121 = arith.constant 512 : i32
    %while3A_122 = arith.subi %while3A_121, %select_n3A_120 : i32
    %while3A_123 = arith.addi %select_n3A_120, %while3A_122 : i32
    %while3A_124 = arith.constant 1 : i32
    %while3A_125 = arith.divsi %while3A_122, %while3A_124 : i32
    %while3A_126 = arith.muli %while3A_125, %while3A_124 : i32
    %while3A_127 = arith.addi %select_n3A_120, %while3A_126 : i32
    %while3A_128 = arith.constant 1 : i32
    %while3A_129 = scf.for %while3A_233 = %select_n3A_120 to %while3A_127 step %while3A_128 iter_args(%while3A_234 = %while3A_96) -> (i32)  : i32 {
      %mul3A_235 = arith.constant 2 : i32
      %mul3A_236 = arith.muli %while3A_233, %mul3A_235 : i32
      %mul3A_237 = arith.constant 16 : i32
      %mul3A_238 = arith.muli %mul3A_236, %mul3A_237 : i32
      %get3A = arith.index_cast %mul3A_238 : i32 to index
      %get3A_239 = tpu.vector_load %arg6[%get3A] {strides = array<i32>} : memref<16384xf32, #tpu.memory_space<vmem>>, vector<16xf32>,
      %get3A_240 = arith.index_cast %mul3A_238 : i32 to index
      %get3A_241 = tpu.vector_load %arg7[%get3A_240] {strides = array<i32>} : memref<16384xi32, #tpu.memory_space<vmem>>, vector<16xi32>,
      %eq3A_242 = vector.broadcast %mul3A_6 : i32 to vector<16xi32>
      %eq3A_243 = arith.cmpi eq, %get3A_241, %eq3A_242 : vector<16xi32>
      %convert_element_type3A = arith.extui %eq3A_243 : vector<16xi1> to vector<16xi32>
      %broadcast_in_dim3A_244 = arith.constant true
      %broadcast_in_dim3A_245 = vector.broadcast %broadcast_in_dim3A_244 : i1 to vector<16xi1>
      %masked_cumsum3A = tpu.scan <sum>, %convert_element_type3A masked %broadcast_in_dim3A_245 : vector<16xi32>, vector<16xi1> -> vector<16xi32>
      %sub3A_246 = arith.constant 1 : i32
      %sub3A_247 = arith.subi %while3A_234, %sub3A_246 : i32
      %add3A_248 = vector.broadcast %sub3A_247 : i32 to vector<16xi32>
      %add3A_249 = arith.addi %masked_cumsum3A, %add3A_248 : vector<16xi32>
      tpu.vector_store_idx %arg8[%add3A_249], %get3A_239 masked %eq3A_243 : memref<24704xf32, #tpu.memory_space<vmem>>[vector<16xi32>], vector<16xf32>, vector<16xi1>
      %slice3A = vector.extract_strided_slice %masked_cumsum3A {offsets = [15], sizes = [1], strides = [1]} : vector<16xi32> to vector<1xi32>
      %squeeze3A = vector.extract %slice3A[0] : i32 from vector<1xi32>
      %add3A_250 = arith.addi %while3A_234, %squeeze3A : i32
      %mul3A_251 = arith.constant 2 : i32
      %mul3A_252 = arith.muli %while3A_233, %mul3A_251 : i32
      %mul3A_253 = arith.constant 16 : i32
      %mul3A_254 = arith.muli %mul3A_252, %mul3A_253 : i32
      %add3A_255 = arith.constant 16 : i32
      %add3A_256 = arith.addi %mul3A_254, %add3A_255 : i32
      %get3A_257 = arith.index_cast %add3A_256 : i32 to index
      %get3A_258 = tpu.vector_load %arg6[%get3A_257] {strides = array<i32>} : memref<16384xf32, #tpu.memory_space<vmem>>, vector<16xf32>,
      %get3A_259 = arith.index_cast %add3A_256 : i32 to index
      %get3A_260 = tpu.vector_load %arg7[%get3A_259] {strides = array<i32>} : memref<16384xi32, #tpu.memory_space<vmem>>, vector<16xi32>,
      %eq3A_261 = vector.broadcast %mul3A_6 : i32 to vector<16xi32>
      %eq3A_262 = arith.cmpi eq, %get3A_260, %eq3A_261 : vector<16xi32>
      %convert_element_type3A_263 = arith.extui %eq3A_262 : vector<16xi1> to vector<16xi32>
      %broadcast_in_dim3A_264 = arith.constant true
      %broadcast_in_dim3A_265 = vector.broadcast %broadcast_in_dim3A_264 : i1 to vector<16xi1>
      %masked_cumsum3A_266 = tpu.scan <sum>, %convert_element_type3A_263 masked %broadcast_in_dim3A_265 : vector<16xi32>, vector<16xi1> -> vector<16xi32>
      %sub3A_267 = arith.constant 1 : i32
      %sub3A_268 = arith.subi %add3A_250, %sub3A_267 : i32
      %add3A_269 = vector.broadcast %sub3A_268 : i32 to vector<16xi32>
      %add3A_270 = arith.addi %masked_cumsum3A_266, %add3A_269 : vector<16xi32>
      tpu.vector_store_idx %arg8[%add3A_270], %get3A_258 masked %eq3A_262 : memref<24704xf32, #tpu.memory_space<vmem>>[vector<16xi32>], vector<16xf32>, vector<16xi1>
      %slice3A_271 = vector.extract_strided_slice %masked_cumsum3A_266 {offsets = [15], sizes = [1], strides = [1]} : vector<16xi32> to vector<1xi32>
      %squeeze3A_272 = vector.extract %slice3A_271[0] : i32 from vector<1xi32>
      %add3A_273 = arith.addi %add3A_250, %squeeze3A_272 : i32
      scf.yield %add3A_273 : i32
    }
    %while3A_130 = arith.constant 1 : i32
    %while3A_131 = scf.for %while3A_233 = %while3A_127 to %while3A_123 step %while3A_130 iter_args(%while3A_234 = %while3A_129) -> (i32)  : i32 {
      %mul3A_235 = arith.constant 2 : i32
      %mul3A_236 = arith.muli %while3A_233, %mul3A_235 : i32
      %mul3A_237 = arith.constant 16 : i32
      %mul3A_238 = arith.muli %mul3A_236, %mul3A_237 : i32
      %get3A = arith.index_cast %mul3A_238 : i32 to index
      %get3A_239 = tpu.vector_load %arg6[%get3A] {strides = array<i32>} : memref<16384xf32, #tpu.memory_space<vmem>>, vector<16xf32>,
      %get3A_240 = arith.index_cast %mul3A_238 : i32 to index
      %get3A_241 = tpu.vector_load %arg7[%get3A_240] {strides = array<i32>} : memref<16384xi32, #tpu.memory_space<vmem>>, vector<16xi32>,
      %eq3A_242 = vector.broadcast %mul3A_6 : i32 to vector<16xi32>
      %eq3A_243 = arith.cmpi eq, %get3A_241, %eq3A_242 : vector<16xi32>
      %convert_element_type3A = arith.extui %eq3A_243 : vector<16xi1> to vector<16xi32>
      %broadcast_in_dim3A_244 = arith.constant true
      %broadcast_in_dim3A_245 = vector.broadcast %broadcast_in_dim3A_244 : i1 to vector<16xi1>
      %masked_cumsum3A = tpu.scan <sum>, %convert_element_type3A masked %broadcast_in_dim3A_245 : vector<16xi32>, vector<16xi1> -> vector<16xi32>
      %sub3A_246 = arith.constant 1 : i32
      %sub3A_247 = arith.subi %while3A_234, %sub3A_246 : i32
      %add3A_248 = vector.broadcast %sub3A_247 : i32 to vector<16xi32>
      %add3A_249 = arith.addi %masked_cumsum3A, %add3A_248 : vector<16xi32>
      tpu.vector_store_idx %arg8[%add3A_249], %get3A_239 masked %eq3A_243 : memref<24704xf32, #tpu.memory_space<vmem>>[vector<16xi32>], vector<16xf32>, vector<16xi1>
      %slice3A = vector.extract_strided_slice %masked_cumsum3A {offsets = [15], sizes = [1], strides = [1]} : vector<16xi32> to vector<1xi32>
      %squeeze3A = vector.extract %slice3A[0] : i32 from vector<1xi32>
      %add3A_250 = arith.addi %while3A_234, %squeeze3A : i32
      %mul3A_251 = arith.constant 2 : i32
      %mul3A_252 = arith.muli %while3A_233, %mul3A_251 : i32
      %mul3A_253 = arith.constant 16 : i32
      %mul3A_254 = arith.muli %mul3A_252, %mul3A_253 : i32
      %add3A_255 = arith.constant 16 : i32
      %add3A_256 = arith.addi %mul3A_254, %add3A_255 : i32
      %get3A_257 = arith.index_cast %add3A_256 : i32 to index
      %get3A_258 = tpu.vector_load %arg6[%get3A_257] {strides = array<i32>} : memref<16384xf32, #tpu.memory_space<vmem>>, vector<16xf32>,
      %get3A_259 = arith.index_cast %add3A_256 : i32 to index
      %get3A_260 = tpu.vector_load %arg7[%get3A_259] {strides = array<i32>} : memref<16384xi32, #tpu.memory_space<vmem>>, vector<16xi32>,
      %eq3A_261 = vector.broadcast %mul3A_6 : i32 to vector<16xi32>
      %eq3A_262 = arith.cmpi eq, %get3A_260, %eq3A_261 : vector<16xi32>
      %convert_element_type3A_263 = arith.extui %eq3A_262 : vector<16xi1> to vector<16xi32>
      %broadcast_in_dim3A_264 = arith.constant true
      %broadcast_in_dim3A_265 = vector.broadcast %broadcast_in_dim3A_264 : i1 to vector<16xi1>
      %masked_cumsum3A_266 = tpu.scan <sum>, %convert_element_type3A_263 masked %broadcast_in_dim3A_265 : vector<16xi32>, vector<16xi1> -> vector<16xi32>
      %sub3A_267 = arith.constant 1 : i32
      %sub3A_268 = arith.subi %add3A_250, %sub3A_267 : i32
      %add3A_269 = vector.broadcast %sub3A_268 : i32 to vector<16xi32>
      %add3A_270 = arith.addi %masked_cumsum3A_266, %add3A_269 : vector<16xi32>
      tpu.vector_store_idx %arg8[%add3A_270], %get3A_258 masked %eq3A_262 : memref<24704xf32, #tpu.memory_space<vmem>>[vector<16xi32>], vector<16xf32>, vector<16xi1>
      %slice3A_271 = vector.extract_strided_slice %masked_cumsum3A_266 {offsets = [15], sizes = [1], strides = [1]} : vector<16xi32> to vector<1xi32>
      %squeeze3A_272 = vector.extract %slice3A_271[0] : i32 from vector<1xi32>
      %add3A_273 = arith.addi %add3A_250, %squeeze3A_272 : i32
      scf.yield %add3A_273 : i32
    }
    %broadcast_in_dim3A = arith.constant -1.000000e+30 : f32
    %broadcast_in_dim3A_132 = vector.broadcast %broadcast_in_dim3A : f32 to vector<16xf32>
    %swap3A = arith.index_cast %while3A_131 : i32 to index
    %swap3A_133 = tpu.vector_load %arg8[%swap3A] {strides = array<i32>} : memref<24704xf32, #tpu.memory_space<vmem>>, vector<16xf32>,
    tpu.vector_store %arg8[%swap3A], %broadcast_in_dim3A_132 {strides = array<i32>} : memref<24704xf32, #tpu.memory_space<vmem>>, vector<16xf32>,
    %broadcast_in_dim3A_134 = arith.constant -1.000000e+30 : f32
    %broadcast_in_dim3A_135 = vector.broadcast %broadcast_in_dim3A_134 : f32 to vector<16xf32>
    %add3A_136 = arith.constant 16 : i32
    %add3A_137 = arith.addi %while3A_131, %add3A_136 : i32
    %swap3A_138 = arith.index_cast %add3A_137 : i32 to index
    %swap3A_139 = tpu.vector_load %arg8[%swap3A_138] {strides = array<i32>} : memref<24704xf32, #tpu.memory_space<vmem>>, vector<16xf32>,
    tpu.vector_store %arg8[%swap3A_138], %broadcast_in_dim3A_135 {strides = array<i32>} : memref<24704xf32, #tpu.memory_space<vmem>>, vector<16xf32>,
    %broadcast_in_dim3A_140 = arith.constant 1.000000e+30 : f32
    %broadcast_in_dim3A_141 = vector.broadcast %broadcast_in_dim3A_140 : f32 to vector<16xf32>
    %add3A_142 = arith.constant 16448 : i32
    %add3A_143 = arith.addi %while3A_61#1, %add3A_142 : i32
    %swap3A_144 = arith.index_cast %add3A_143 : i32 to index
    %swap3A_145 = tpu.vector_load %arg8[%swap3A_144] {strides = array<i32>} : memref<24704xf32, #tpu.memory_space<vmem>>, vector<16xf32>,
    tpu.vector_store %arg8[%swap3A_144], %broadcast_in_dim3A_141 {strides = array<i32>} : memref<24704xf32, #tpu.memory_space<vmem>>, vector<16xf32>,
    %add3A_146 = arith.constant 16 : i32
    %add3A_147 = arith.addi %while3A_61#1, %add3A_146 : i32
    %sub3A_148 = arith.constant 1 : i32
    %sub3A_149 = arith.subi %add3A_147, %sub3A_148 : i32
    %jit3A_150 = arith.constant 16 : i32
    %div3A_151 = arith.divsi %sub3A_149, %jit3A_150 : i32
    %sign3A_152 = arith.constant 0 : i32
    %sign3A_153 = arith.cmpi sgt, %sub3A_149, %sign3A_152 : i32
    %sign3A_154 = arith.extui %sign3A_153 : i1 to i32
    %sign3A_155 = arith.constant 0 : i32
    %sign3A_156 = arith.cmpi slt, %sub3A_149, %sign3A_155 : i32
    %sign3A_157 = arith.extui %sign3A_156 : i1 to i32
    %sign3A_158 = arith.subi %sign3A_154, %sign3A_157 : i32
    %sign3A_159 = arith.constant 0 : i32
    %sign3A_160 = arith.cmpi sgt, %jit3A_150, %sign3A_159 : i32
    %sign3A_161 = arith.extui %sign3A_160 : i1 to i32
    %sign3A_162 = arith.constant 0 : i32
    %sign3A_163 = arith.cmpi slt, %jit3A_150, %sign3A_162 : i32
    %sign3A_164 = arith.extui %sign3A_163 : i1 to i32
    %sign3A_165 = arith.subi %sign3A_161, %sign3A_164 : i32
    %ne3A_166 = arith.cmpi ne, %sign3A_158, %sign3A_165 : i32
    %rem3A_167 = arith.remsi %sub3A_149, %jit3A_150 : i32
    %ne3A_168 = arith.constant 0 : i32
    %ne3A_169 = arith.cmpi ne, %rem3A_167, %ne3A_168 : i32
    %and3A_170 = arith.andi %ne3A_166, %ne3A_169 : i1
    %sub3A_171 = arith.constant 1 : i32
    %sub3A_172 = arith.subi %div3A_151, %sub3A_171 : i32
    %select_n3A_173 = arith.select %and3A_170, %sub3A_172, %div3A_151 : i32
    %add3A_174 = arith.constant 32 : i32
    %add3A_175 = arith.addi %while3A_131, %add3A_174 : i32
    %sub3A_176 = arith.constant 1 : i32
    %sub3A_177 = arith.subi %add3A_175, %sub3A_176 : i32
    %jit3A_178 = arith.constant 32 : i32
    %div3A_179 = arith.divsi %sub3A_177, %jit3A_178 : i32
    %sign3A_180 = arith.constant 0 : i32
    %sign3A_181 = arith.cmpi sgt, %sub3A_177, %sign3A_180 : i32
    %sign3A_182 = arith.extui %sign3A_181 : i1 to i32
    %sign3A_183 = arith.constant 0 : i32
    %sign3A_184 = arith.cmpi slt, %sub3A_177, %sign3A_183 : i32
    %sign3A_185 = arith.extui %sign3A_184 : i1 to i32
    %sign3A_186 = arith.subi %sign3A_182, %sign3A_185 : i32
    %sign3A_187 = arith.constant 0 : i32
    %sign3A_188 = arith.cmpi sgt, %jit3A_178, %sign3A_187 : i32
    %sign3A_189 = arith.extui %sign3A_188 : i1 to i32
    %sign3A_190 = arith.constant 0 : i32
    %sign3A_191 = arith.cmpi slt, %jit3A_178, %sign3A_190 : i32
    %sign3A_192 = arith.extui %sign3A_191 : i1 to i32
    %sign3A_193 = arith.subi %sign3A_189, %sign3A_192 : i32
    %ne3A_194 = arith.cmpi ne, %sign3A_186, %sign3A_193 : i32
    %rem3A_195 = arith.remsi %sub3A_177, %jit3A_178 : i32
    %ne3A_196 = arith.constant 0 : i32
    %ne3A_197 = arith.cmpi ne, %rem3A_195, %ne3A_196 : i32
    %and3A_198 = arith.andi %ne3A_194, %ne3A_197 : i1
    %sub3A_199 = arith.constant 1 : i32
    %sub3A_200 = arith.subi %div3A_179, %sub3A_199 : i32
    %select_n3A_201 = arith.select %and3A_198, %sub3A_200, %div3A_179 : i32
    %broadcast_in_dim3A_202 = arith.constant 0.000000e+00 : f32
    %broadcast_in_dim3A_203 = vector.broadcast %broadcast_in_dim3A_202 : f32 to vector<16xf32>
    %while3A_204 = arith.constant 0 : i32
    %while3A_205 = arith.subi %select_n3A_173, %while3A_204 : i32
    %while3A_206 = arith.addi %while3A_204, %while3A_205 : i32
    %while3A_207 = arith.constant 1 : i32
    %while3A_208 = arith.divsi %while3A_205, %while3A_207 : i32
    %while3A_209 = arith.muli %while3A_208, %while3A_207 : i32
    %while3A_210 = arith.addi %while3A_204, %while3A_209 : i32
    %while3A_211 = arith.constant 1 : i32
    %while3A_212:8 = scf.for %while3A_233 = %while3A_204 to %while3A_210 step %while3A_211 iter_args(%while3A_234 = %broadcast_in_dim3A_203, %while3A_235 = %broadcast_in_dim3A_203, %while3A_236 = %broadcast_in_dim3A_203, %while3A_237 = %broadcast_in_dim3A_203, %while3A_238 = %broadcast_in_dim3A_203, %while3A_239 = %broadcast_in_dim3A_203, %while3A_240 = %broadcast_in_dim3A_203, %while3A_241 = %broadcast_in_dim3A_203) -> (vector<16xf32>, vector<16xf32>, vector<16xf32>, vector<16xf32>, vector<16xf32>, vector<16xf32>, vector<16xf32>, vector<16xf32>)  : i32 {
      %mul3A_242 = arith.constant 16 : i32
      %mul3A_243 = arith.muli %while3A_233, %mul3A_242 : i32
      %add3A_244 = arith.constant 16448 : i32
      %add3A_245 = arith.addi %mul3A_243, %add3A_244 : i32
      %get3A = arith.index_cast %add3A_245 : i32 to index
      %get3A_246 = tpu.vector_load %arg8[%get3A] {strides = array<i32>} : memref<24704xf32, #tpu.memory_space<vmem>>, vector<16xf32>,
      %slice3A = vector.extract_strided_slice %get3A_246 {offsets = [0], sizes = [1], strides = [1]} : vector<16xf32> to vector<1xf32>
      %squeeze3A = vector.extract %slice3A[0] : f32 from vector<1xf32>
      %sub3A_247 = arith.constant 1.000000e+00 : f32
      %sub3A_248 = arith.subf %sub3A_247, %squeeze3A : f32
      %broadcast_in_dim3A_249 = vector.broadcast %sub3A_248 : f32 to vector<16xf32>
      %slice3A_250 = vector.extract_strided_slice %get3A_246 {offsets = [1], sizes = [1], strides = [1]} : vector<16xf32> to vector<1xf32>
      %squeeze3A_251 = vector.extract %slice3A_250[0] : f32 from vector<1xf32>
      %sub3A_252 = arith.constant 1.000000e+00 : f32
      %sub3A_253 = arith.subf %sub3A_252, %squeeze3A_251 : f32
      %broadcast_in_dim3A_254 = vector.broadcast %sub3A_253 : f32 to vector<16xf32>
      %slice3A_255 = vector.extract_strided_slice %get3A_246 {offsets = [2], sizes = [1], strides = [1]} : vector<16xf32> to vector<1xf32>
      %squeeze3A_256 = vector.extract %slice3A_255[0] : f32 from vector<1xf32>
      %sub3A_257 = arith.constant 1.000000e+00 : f32
      %sub3A_258 = arith.subf %sub3A_257, %squeeze3A_256 : f32
      %broadcast_in_dim3A_259 = vector.broadcast %sub3A_258 : f32 to vector<16xf32>
      %slice3A_260 = vector.extract_strided_slice %get3A_246 {offsets = [3], sizes = [1], strides = [1]} : vector<16xf32> to vector<1xf32>
      %squeeze3A_261 = vector.extract %slice3A_260[0] : f32 from vector<1xf32>
      %sub3A_262 = arith.constant 1.000000e+00 : f32
      %sub3A_263 = arith.subf %sub3A_262, %squeeze3A_261 : f32
      %broadcast_in_dim3A_264 = vector.broadcast %sub3A_263 : f32 to vector<16xf32>
      %slice3A_265 = vector.extract_strided_slice %get3A_246 {offsets = [4], sizes = [1], strides = [1]} : vector<16xf32> to vector<1xf32>
      %squeeze3A_266 = vector.extract %slice3A_265[0] : f32 from vector<1xf32>
      %sub3A_267 = arith.constant 1.000000e+00 : f32
      %sub3A_268 = arith.subf %sub3A_267, %squeeze3A_266 : f32
      %broadcast_in_dim3A_269 = vector.broadcast %sub3A_268 : f32 to vector<16xf32>
      %slice3A_270 = vector.extract_strided_slice %get3A_246 {offsets = [5], sizes = [1], strides = [1]} : vector<16xf32> to vector<1xf32>
      %squeeze3A_271 = vector.extract %slice3A_270[0] : f32 from vector<1xf32>
      %sub3A_272 = arith.constant 1.000000e+00 : f32
      %sub3A_273 = arith.subf %sub3A_272, %squeeze3A_271 : f32
      %broadcast_in_dim3A_274 = vector.broadcast %sub3A_273 : f32 to vector<16xf32>
      %slice3A_275 = vector.extract_strided_slice %get3A_246 {offsets = [6], sizes = [1], strides = [1]} : vector<16xf32> to vector<1xf32>
      %squeeze3A_276 = vector.extract %slice3A_275[0] : f32 from vector<1xf32>
      %sub3A_277 = arith.constant 1.000000e+00 : f32
      %sub3A_278 = arith.subf %sub3A_277, %squeeze3A_276 : f32
      %broadcast_in_dim3A_279 = vector.broadcast %sub3A_278 : f32 to vector<16xf32>
      %slice3A_280 = vector.extract_strided_slice %get3A_246 {offsets = [7], sizes = [1], strides = [1]} : vector<16xf32> to vector<1xf32>
      %squeeze3A_281 = vector.extract %slice3A_280[0] : f32 from vector<1xf32>
      %sub3A_282 = arith.constant 1.000000e+00 : f32
      %sub3A_283 = arith.subf %sub3A_282, %squeeze3A_281 : f32
      %broadcast_in_dim3A_284 = vector.broadcast %sub3A_283 : f32 to vector<16xf32>
      %slice3A_285 = vector.extract_strided_slice %get3A_246 {offsets = [8], sizes = [1], strides = [1]} : vector<16xf32> to vector<1xf32>
      %squeeze3A_286 = vector.extract %slice3A_285[0] : f32 from vector<1xf32>
      %sub3A_287 = arith.constant 1.000000e+00 : f32
      %sub3A_288 = arith.subf %sub3A_287, %squeeze3A_286 : f32
      %broadcast_in_dim3A_289 = vector.broadcast %sub3A_288 : f32 to vector<16xf32>
      %slice3A_290 = vector.extract_strided_slice %get3A_246 {offsets = [9], sizes = [1], strides = [1]} : vector<16xf32> to vector<1xf32>
      %squeeze3A_291 = vector.extract %slice3A_290[0] : f32 from vector<1xf32>
      %sub3A_292 = arith.constant 1.000000e+00 : f32
      %sub3A_293 = arith.subf %sub3A_292, %squeeze3A_291 : f32
      %broadcast_in_dim3A_294 = vector.broadcast %sub3A_293 : f32 to vector<16xf32>
      %slice3A_295 = vector.extract_strided_slice %get3A_246 {offsets = [10], sizes = [1], strides = [1]} : vector<16xf32> to vector<1xf32>
      %squeeze3A_296 = vector.extract %slice3A_295[0] : f32 from vector<1xf32>
      %sub3A_297 = arith.constant 1.000000e+00 : f32
      %sub3A_298 = arith.subf %sub3A_297, %squeeze3A_296 : f32
      %broadcast_in_dim3A_299 = vector.broadcast %sub3A_298 : f32 to vector<16xf32>
      %slice3A_300 = vector.extract_strided_slice %get3A_246 {offsets = [11], sizes = [1], strides = [1]} : vector<16xf32> to vector<1xf32>
      %squeeze3A_301 = vector.extract %slice3A_300[0] : f32 from vector<1xf32>
      %sub3A_302 = arith.constant 1.000000e+00 : f32
      %sub3A_303 = arith.subf %sub3A_302, %squeeze3A_301 : f32
      %broadcast_in_dim3A_304 = vector.broadcast %sub3A_303 : f32 to vector<16xf32>
      %slice3A_305 = vector.extract_strided_slice %get3A_246 {offsets = [12], sizes = [1], strides = [1]} : vector<16xf32> to vector<1xf32>
      %squeeze3A_306 = vector.extract %slice3A_305[0] : f32 from vector<1xf32>
      %sub3A_307 = arith.constant 1.000000e+00 : f32
      %sub3A_308 = arith.subf %sub3A_307, %squeeze3A_306 : f32
      %broadcast_in_dim3A_309 = vector.broadcast %sub3A_308 : f32 to vector<16xf32>
      %slice3A_310 = vector.extract_strided_slice %get3A_246 {offsets = [13], sizes = [1], strides = [1]} : vector<16xf32> to vector<1xf32>
      %squeeze3A_311 = vector.extract %slice3A_310[0] : f32 from vector<1xf32>
      %sub3A_312 = arith.constant 1.000000e+00 : f32
      %sub3A_313 = arith.subf %sub3A_312, %squeeze3A_311 : f32
      %broadcast_in_dim3A_314 = vector.broadcast %sub3A_313 : f32 to vector<16xf32>
      %slice3A_315 = vector.extract_strided_slice %get3A_246 {offsets = [14], sizes = [1], strides = [1]} : vector<16xf32> to vector<1xf32>
      %squeeze3A_316 = vector.extract %slice3A_315[0] : f32 from vector<1xf32>
      %sub3A_317 = arith.constant 1.000000e+00 : f32
      %sub3A_318 = arith.subf %sub3A_317, %squeeze3A_316 : f32
      %broadcast_in_dim3A_319 = vector.broadcast %sub3A_318 : f32 to vector<16xf32>
      %slice3A_320 = vector.extract_strided_slice %get3A_246 {offsets = [15], sizes = [1], strides = [1]} : vector<16xf32> to vector<1xf32>
      %squeeze3A_321 = vector.extract %slice3A_320[0] : f32 from vector<1xf32>
      %sub3A_322 = arith.constant 1.000000e+00 : f32
      %sub3A_323 = arith.subf %sub3A_322, %squeeze3A_321 : f32
      %broadcast_in_dim3A_324 = vector.broadcast %sub3A_323 : f32 to vector<16xf32>
      %while3A_325 = arith.constant 0 : i32
      %while3A_326 = arith.subi %select_n3A_201, %while3A_325 : i32
      %while3A_327 = arith.addi %while3A_325, %while3A_326 : i32
      %while3A_328 = arith.constant 1 : i32
      %while3A_329 = arith.divsi %while3A_326, %while3A_328 : i32
      %while3A_330 = arith.muli %while3A_329, %while3A_328 : i32
      %while3A_331 = arith.addi %while3A_325, %while3A_330 : i32
      %while3A_332 = arith.constant 1 : i32
      %while3A_333:8 = scf.for %while3A_336 = %while3A_325 to %while3A_331 step %while3A_332 iter_args(%while3A_337 = %while3A_234, %while3A_338 = %while3A_235, %while3A_339 = %while3A_236, %while3A_340 = %while3A_237, %while3A_341 = %while3A_238, %while3A_342 = %while3A_239, %while3A_343 = %while3A_240, %while3A_344 = %while3A_241) -> (vector<16xf32>, vector<16xf32>, vector<16xf32>, vector<16xf32>, vector<16xf32>, vector<16xf32>, vector<16xf32>, vector<16xf32>)  : i32 {
        %mul3A_345 = arith.constant 2 : i32
        %mul3A_346 = arith.muli %while3A_336, %mul3A_345 : i32
        %mul3A_347 = arith.constant 16 : i32
        %mul3A_348 = arith.muli %mul3A_346, %mul3A_347 : i32
        %get3A_349 = arith.index_cast %mul3A_348 : i32 to index
        %get3A_350 = tpu.vector_load %arg8[%get3A_349] {strides = array<i32>} : memref<24704xf32, #tpu.memory_space<vmem>>, vector<16xf32>,
        %mul3A_351 = arith.constant 2 : i32
        %mul3A_352 = arith.muli %while3A_336, %mul3A_351 : i32
        %mul3A_353 = arith.constant 16 : i32
        %mul3A_354 = arith.muli %mul3A_352, %mul3A_353 : i32
        %add3A_355 = arith.constant 16 : i32
        %add3A_356 = arith.addi %mul3A_354, %add3A_355 : i32
        %get3A_357 = arith.index_cast %add3A_356 : i32 to index
        %get3A_358 = tpu.vector_load %arg8[%get3A_357] {strides = array<i32>} : memref<24704xf32, #tpu.memory_space<vmem>>, vector<16xf32>,
        %add3A_359 = arith.addf %get3A_350, %broadcast_in_dim3A_249 : vector<16xf32>
        %max3A = arith.constant 0.000000e+00 : f32
        %max3A_360 = vector.broadcast %max3A : f32 to vector<16xf32>
        %max3A_361 = arith.maximumf %add3A_359, %max3A_360 : vector<16xf32>
        %add3A_362 = arith.addf %while3A_337, %max3A_361 : vector<16xf32>
        %add3A_363 = arith.addf %get3A_350, %broadcast_in_dim3A_254 : vector<16xf32>
        %max3A_364 = arith.constant 0.000000e+00 : f32
        %max3A_365 = vector.broadcast %max3A_364 : f32 to vector<16xf32>
        %max3A_366 = arith.maximumf %add3A_363, %max3A_365 : vector<16xf32>
        %add3A_367 = arith.addf %while3A_338, %max3A_366 : vector<16xf32>
        %add3A_368 = arith.addf %get3A_350, %broadcast_in_dim3A_259 : vector<16xf32>
        %max3A_369 = arith.constant 0.000000e+00 : f32
        %max3A_370 = vector.broadcast %max3A_369 : f32 to vector<16xf32>
        %max3A_371 = arith.maximumf %add3A_368, %max3A_370 : vector<16xf32>
        %add3A_372 = arith.addf %while3A_339, %max3A_371 : vector<16xf32>
        %add3A_373 = arith.addf %get3A_350, %broadcast_in_dim3A_264 : vector<16xf32>
        %max3A_374 = arith.constant 0.000000e+00 : f32
        %max3A_375 = vector.broadcast %max3A_374 : f32 to vector<16xf32>
        %max3A_376 = arith.maximumf %add3A_373, %max3A_375 : vector<16xf32>
        %add3A_377 = arith.addf %while3A_340, %max3A_376 : vector<16xf32>
        %add3A_378 = arith.addf %get3A_350, %broadcast_in_dim3A_269 : vector<16xf32>
        %max3A_379 = arith.constant 0.000000e+00 : f32
        %max3A_380 = vector.broadcast %max3A_379 : f32 to vector<16xf32>
        %max3A_381 = arith.maximumf %add3A_378, %max3A_380 : vector<16xf32>
        %add3A_382 = arith.addf %while3A_341, %max3A_381 : vector<16xf32>
        %add3A_383 = arith.addf %get3A_350, %broadcast_in_dim3A_274 : vector<16xf32>
        %max3A_384 = arith.constant 0.000000e+00 : f32
        %max3A_385 = vector.broadcast %max3A_384 : f32 to vector<16xf32>
        %max3A_386 = arith.maximumf %add3A_383, %max3A_385 : vector<16xf32>
        %add3A_387 = arith.addf %while3A_342, %max3A_386 : vector<16xf32>
        %add3A_388 = arith.addf %get3A_350, %broadcast_in_dim3A_279 : vector<16xf32>
        %max3A_389 = arith.constant 0.000000e+00 : f32
        %max3A_390 = vector.broadcast %max3A_389 : f32 to vector<16xf32>
        %max3A_391 = arith.maximumf %add3A_388, %max3A_390 : vector<16xf32>
        %add3A_392 = arith.addf %while3A_343, %max3A_391 : vector<16xf32>
        %add3A_393 = arith.addf %get3A_350, %broadcast_in_dim3A_284 : vector<16xf32>
        %max3A_394 = arith.constant 0.000000e+00 : f32
        %max3A_395 = vector.broadcast %max3A_394 : f32 to vector<16xf32>
        %max3A_396 = arith.maximumf %add3A_393, %max3A_395 : vector<16xf32>
        %add3A_397 = arith.addf %while3A_344, %max3A_396 : vector<16xf32>
        %add3A_398 = arith.addf %get3A_350, %broadcast_in_dim3A_289 : vector<16xf32>
        %max3A_399 = arith.constant 0.000000e+00 : f32
        %max3A_400 = vector.broadcast %max3A_399 : f32 to vector<16xf32>
        %max3A_401 = arith.maximumf %add3A_398, %max3A_400 : vector<16xf32>
        %add3A_402 = arith.addf %add3A_362, %max3A_401 : vector<16xf32>
        %add3A_403 = arith.addf %get3A_350, %broadcast_in_dim3A_294 : vector<16xf32>
        %max3A_404 = arith.constant 0.000000e+00 : f32
        %max3A_405 = vector.broadcast %max3A_404 : f32 to vector<16xf32>
        %max3A_406 = arith.maximumf %add3A_403, %max3A_405 : vector<16xf32>
        %add3A_407 = arith.addf %add3A_367, %max3A_406 : vector<16xf32>
        %add3A_408 = arith.addf %get3A_350, %broadcast_in_dim3A_299 : vector<16xf32>
        %max3A_409 = arith.constant 0.000000e+00 : f32
        %max3A_410 = vector.broadcast %max3A_409 : f32 to vector<16xf32>
        %max3A_411 = arith.maximumf %add3A_408, %max3A_410 : vector<16xf32>
        %add3A_412 = arith.addf %add3A_372, %max3A_411 : vector<16xf32>
        %add3A_413 = arith.addf %get3A_350, %broadcast_in_dim3A_304 : vector<16xf32>
        %max3A_414 = arith.constant 0.000000e+00 : f32
        %max3A_415 = vector.broadcast %max3A_414 : f32 to vector<16xf32>
        %max3A_416 = arith.maximumf %add3A_413, %max3A_415 : vector<16xf32>
        %add3A_417 = arith.addf %add3A_377, %max3A_416 : vector<16xf32>
        %add3A_418 = arith.addf %get3A_350, %broadcast_in_dim3A_309 : vector<16xf32>
        %max3A_419 = arith.constant 0.000000e+00 : f32
        %max3A_420 = vector.broadcast %max3A_419 : f32 to vector<16xf32>
        %max3A_421 = arith.maximumf %add3A_418, %max3A_420 : vector<16xf32>
        %add3A_422 = arith.addf %add3A_382, %max3A_421 : vector<16xf32>
        %add3A_423 = arith.addf %get3A_350, %broadcast_in_dim3A_314 : vector<16xf32>
        %max3A_424 = arith.constant 0.000000e+00 : f32
        %max3A_425 = vector.broadcast %max3A_424 : f32 to vector<16xf32>
        %max3A_426 = arith.maximumf %add3A_423, %max3A_425 : vector<16xf32>
        %add3A_427 = arith.addf %add3A_387, %max3A_426 : vector<16xf32>
        %add3A_428 = arith.addf %get3A_350, %broadcast_in_dim3A_319 : vector<16xf32>
        %max3A_429 = arith.constant 0.000000e+00 : f32
        %max3A_430 = vector.broadcast %max3A_429 : f32 to vector<16xf32>
        %max3A_431 = arith.maximumf %add3A_428, %max3A_430 : vector<16xf32>
        %add3A_432 = arith.addf %add3A_392, %max3A_431 : vector<16xf32>
        %add3A_433 = arith.addf %get3A_350, %broadcast_in_dim3A_324 : vector<16xf32>
        %max3A_434 = arith.constant 0.000000e+00 : f32
        %max3A_435 = vector.broadcast %max3A_434 : f32 to vector<16xf32>
        %max3A_436 = arith.maximumf %add3A_433, %max3A_435 : vector<16xf32>
        %add3A_437 = arith.addf %add3A_397, %max3A_436 : vector<16xf32>
        %add3A_438 = arith.addf %get3A_358, %broadcast_in_dim3A_249 : vector<16xf32>
        %max3A_439 = arith.constant 0.000000e+00 : f32
        %max3A_440 = vector.broadcast %max3A_439 : f32 to vector<16xf32>
        %max3A_441 = arith.maximumf %add3A_438, %max3A_440 : vector<16xf32>
        %add3A_442 = arith.addf %add3A_422, %max3A_441 : vector<16xf32>
        %add3A_443 = arith.addf %get3A_358, %broadcast_in_dim3A_254 : vector<16xf32>
        %max3A_444 = arith.constant 0.000000e+00 : f32
        %max3A_445 = vector.broadcast %max3A_444 : f32 to vector<16xf32>
        %max3A_446 = arith.maximumf %add3A_443, %max3A_445 : vector<16xf32>
        %add3A_447 = arith.addf %add3A_427, %max3A_446 : vector<16xf32>
        %add3A_448 = arith.addf %get3A_358, %broadcast_in_dim3A_259 : vector<16xf32>
        %max3A_449 = arith.constant 0.000000e+00 : f32
        %max3A_450 = vector.broadcast %max3A_449 : f32 to vector<16xf32>
        %max3A_451 = arith.maximumf %add3A_448, %max3A_450 : vector<16xf32>
        %add3A_452 = arith.addf %add3A_432, %max3A_451 : vector<16xf32>
        %add3A_453 = arith.addf %get3A_358, %broadcast_in_dim3A_264 : vector<16xf32>
        %max3A_454 = arith.constant 0.000000e+00 : f32
        %max3A_455 = vector.broadcast %max3A_454 : f32 to vector<16xf32>
        %max3A_456 = arith.maximumf %add3A_453, %max3A_455 : vector<16xf32>
        %add3A_457 = arith.addf %add3A_437, %max3A_456 : vector<16xf32>
        %add3A_458 = arith.addf %get3A_358, %broadcast_in_dim3A_269 : vector<16xf32>
        %max3A_459 = arith.constant 0.000000e+00 : f32
        %max3A_460 = vector.broadcast %max3A_459 : f32 to vector<16xf32>
        %max3A_461 = arith.maximumf %add3A_458, %max3A_460 : vector<16xf32>
        %add3A_462 = arith.addf %add3A_402, %max3A_461 : vector<16xf32>
        %add3A_463 = arith.addf %get3A_358, %broadcast_in_dim3A_274 : vector<16xf32>
        %max3A_464 = arith.constant 0.000000e+00 : f32
        %max3A_465 = vector.broadcast %max3A_464 : f32 to vector<16xf32>
        %max3A_466 = arith.maximumf %add3A_463, %max3A_465 : vector<16xf32>
        %add3A_467 = arith.addf %add3A_407, %max3A_466 : vector<16xf32>
        %add3A_468 = arith.addf %get3A_358, %broadcast_in_dim3A_279 : vector<16xf32>
        %max3A_469 = arith.constant 0.000000e+00 : f32
        %max3A_470 = vector.broadcast %max3A_469 : f32 to vector<16xf32>
        %max3A_471 = arith.maximumf %add3A_468, %max3A_470 : vector<16xf32>
        %add3A_472 = arith.addf %add3A_412, %max3A_471 : vector<16xf32>
        %add3A_473 = arith.addf %get3A_358, %broadcast_in_dim3A_284 : vector<16xf32>
        %max3A_474 = arith.constant 0.000000e+00 : f32
        %max3A_475 = vector.broadcast %max3A_474 : f32 to vector<16xf32>
        %max3A_476 = arith.maximumf %add3A_473, %max3A_475 : vector<16xf32>
        %add3A_477 = arith.addf %add3A_417, %max3A_476 : vector<16xf32>
        %add3A_478 = arith.addf %get3A_358, %broadcast_in_dim3A_289 : vector<16xf32>
        %max3A_479 = arith.constant 0.000000e+00 : f32
        %max3A_480 = vector.broadcast %max3A_479 : f32 to vector<16xf32>
        %max3A_481 = arith.maximumf %add3A_478, %max3A_480 : vector<16xf32>
        %add3A_482 = arith.addf %add3A_442, %max3A_481 : vector<16xf32>
        %add3A_483 = arith.addf %get3A_358, %broadcast_in_dim3A_294 : vector<16xf32>
        %max3A_484 = arith.constant 0.000000e+00 : f32
        %max3A_485 = vector.broadcast %max3A_484 : f32 to vector<16xf32>
        %max3A_486 = arith.maximumf %add3A_483, %max3A_485 : vector<16xf32>
        %add3A_487 = arith.addf %add3A_447, %max3A_486 : vector<16xf32>
        %add3A_488 = arith.addf %get3A_358, %broadcast_in_dim3A_299 : vector<16xf32>
        %max3A_489 = arith.constant 0.000000e+00 : f32
        %max3A_490 = vector.broadcast %max3A_489 : f32 to vector<16xf32>
        %max3A_491 = arith.maximumf %add3A_488, %max3A_490 : vector<16xf32>
        %add3A_492 = arith.addf %add3A_452, %max3A_491 : vector<16xf32>
        %add3A_493 = arith.addf %get3A_358, %broadcast_in_dim3A_304 : vector<16xf32>
        %max3A_494 = arith.constant 0.000000e+00 : f32
        %max3A_495 = vector.broadcast %max3A_494 : f32 to vector<16xf32>
        %max3A_496 = arith.maximumf %add3A_493, %max3A_495 : vector<16xf32>
        %add3A_497 = arith.addf %add3A_457, %max3A_496 : vector<16xf32>
        %add3A_498 = arith.addf %get3A_358, %broadcast_in_dim3A_309 : vector<16xf32>
        %max3A_499 = arith.constant 0.000000e+00 : f32
        %max3A_500 = vector.broadcast %max3A_499 : f32 to vector<16xf32>
        %max3A_501 = arith.maximumf %add3A_498, %max3A_500 : vector<16xf32>
        %add3A_502 = arith.addf %add3A_462, %max3A_501 : vector<16xf32>
        %add3A_503 = arith.addf %get3A_358, %broadcast_in_dim3A_314 : vector<16xf32>
        %max3A_504 = arith.constant 0.000000e+00 : f32
        %max3A_505 = vector.broadcast %max3A_504 : f32 to vector<16xf32>
        %max3A_506 = arith.maximumf %add3A_503, %max3A_505 : vector<16xf32>
        %add3A_507 = arith.addf %add3A_467, %max3A_506 : vector<16xf32>
        %add3A_508 = arith.addf %get3A_358, %broadcast_in_dim3A_319 : vector<16xf32>
        %max3A_509 = arith.constant 0.000000e+00 : f32
        %max3A_510 = vector.broadcast %max3A_509 : f32 to vector<16xf32>
        %max3A_511 = arith.maximumf %add3A_508, %max3A_510 : vector<16xf32>
        %add3A_512 = arith.addf %add3A_472, %max3A_511 : vector<16xf32>
        %add3A_513 = arith.addf %get3A_358, %broadcast_in_dim3A_324 : vector<16xf32>
        %max3A_514 = arith.constant 0.000000e+00 : f32
        %max3A_515 = vector.broadcast %max3A_514 : f32 to vector<16xf32>
        %max3A_516 = arith.maximumf %add3A_513, %max3A_515 : vector<16xf32>
        %add3A_517 = arith.addf %add3A_477, %max3A_516 : vector<16xf32>
        scf.yield %add3A_502, %add3A_507, %add3A_512, %add3A_517, %add3A_482, %add3A_487, %add3A_492, %add3A_497 : vector<16xf32>, vector<16xf32>, vector<16xf32>, vector<16xf32>, vector<16xf32>, vector<16xf32>, vector<16xf32>, vector<16xf32>
      }
      %while3A_334 = arith.constant 1 : i32
      %while3A_335:8 = scf.for %while3A_336 = %while3A_331 to %while3A_327 step %while3A_334 iter_args(%while3A_337 = %while3A_333#0, %while3A_338 = %while3A_333#1, %while3A_339 = %while3A_333#2, %while3A_340 = %while3A_333#3, %while3A_341 = %while3A_333#4, %while3A_342 = %while3A_333#5, %while3A_343 = %while3A_333#6, %while3A_344 = %while3A_333#7) -> (vector<16xf32>, vector<16xf32>, vector<16xf32>, vector<16xf32>, vector<16xf32>, vector<16xf32>, vector<16xf32>, vector<16xf32>)  : i32 {
        %mul3A_345 = arith.constant 2 : i32
        %mul3A_346 = arith.muli %while3A_336, %mul3A_345 : i32
        %mul3A_347 = arith.constant 16 : i32
        %mul3A_348 = arith.muli %mul3A_346, %mul3A_347 : i32
        %get3A_349 = arith.index_cast %mul3A_348 : i32 to index
        %get3A_350 = tpu.vector_load %arg8[%get3A_349] {strides = array<i32>} : memref<24704xf32, #tpu.memory_space<vmem>>, vector<16xf32>,
        %mul3A_351 = arith.constant 2 : i32
        %mul3A_352 = arith.muli %while3A_336, %mul3A_351 : i32
        %mul3A_353 = arith.constant 16 : i32
        %mul3A_354 = arith.muli %mul3A_352, %mul3A_353 : i32
        %add3A_355 = arith.constant 16 : i32
        %add3A_356 = arith.addi %mul3A_354, %add3A_355 : i32
        %get3A_357 = arith.index_cast %add3A_356 : i32 to index
        %get3A_358 = tpu.vector_load %arg8[%get3A_357] {strides = array<i32>} : memref<24704xf32, #tpu.memory_space<vmem>>, vector<16xf32>,
        %add3A_359 = arith.addf %get3A_350, %broadcast_in_dim3A_249 : vector<16xf32>
        %max3A = arith.constant 0.000000e+00 : f32
        %max3A_360 = vector.broadcast %max3A : f32 to vector<16xf32>
        %max3A_361 = arith.maximumf %add3A_359, %max3A_360 : vector<16xf32>
        %add3A_362 = arith.addf %while3A_337, %max3A_361 : vector<16xf32>
        %add3A_363 = arith.addf %get3A_350, %broadcast_in_dim3A_254 : vector<16xf32>
        %max3A_364 = arith.constant 0.000000e+00 : f32
        %max3A_365 = vector.broadcast %max3A_364 : f32 to vector<16xf32>
        %max3A_366 = arith.maximumf %add3A_363, %max3A_365 : vector<16xf32>
        %add3A_367 = arith.addf %while3A_338, %max3A_366 : vector<16xf32>
        %add3A_368 = arith.addf %get3A_350, %broadcast_in_dim3A_259 : vector<16xf32>
        %max3A_369 = arith.constant 0.000000e+00 : f32
        %max3A_370 = vector.broadcast %max3A_369 : f32 to vector<16xf32>
        %max3A_371 = arith.maximumf %add3A_368, %max3A_370 : vector<16xf32>
        %add3A_372 = arith.addf %while3A_339, %max3A_371 : vector<16xf32>
        %add3A_373 = arith.addf %get3A_350, %broadcast_in_dim3A_264 : vector<16xf32>
        %max3A_374 = arith.constant 0.000000e+00 : f32
        %max3A_375 = vector.broadcast %max3A_374 : f32 to vector<16xf32>
        %max3A_376 = arith.maximumf %add3A_373, %max3A_375 : vector<16xf32>
        %add3A_377 = arith.addf %while3A_340, %max3A_376 : vector<16xf32>
        %add3A_378 = arith.addf %get3A_350, %broadcast_in_dim3A_269 : vector<16xf32>
        %max3A_379 = arith.constant 0.000000e+00 : f32
        %max3A_380 = vector.broadcast %max3A_379 : f32 to vector<16xf32>
        %max3A_381 = arith.maximumf %add3A_378, %max3A_380 : vector<16xf32>
        %add3A_382 = arith.addf %while3A_341, %max3A_381 : vector<16xf32>
        %add3A_383 = arith.addf %get3A_350, %broadcast_in_dim3A_274 : vector<16xf32>
        %max3A_384 = arith.constant 0.000000e+00 : f32
        %max3A_385 = vector.broadcast %max3A_384 : f32 to vector<16xf32>
        %max3A_386 = arith.maximumf %add3A_383, %max3A_385 : vector<16xf32>
        %add3A_387 = arith.addf %while3A_342, %max3A_386 : vector<16xf32>
        %add3A_388 = arith.addf %get3A_350, %broadcast_in_dim3A_279 : vector<16xf32>
        %max3A_389 = arith.constant 0.000000e+00 : f32
        %max3A_390 = vector.broadcast %max3A_389 : f32 to vector<16xf32>
        %max3A_391 = arith.maximumf %add3A_388, %max3A_390 : vector<16xf32>
        %add3A_392 = arith.addf %while3A_343, %max3A_391 : vector<16xf32>
        %add3A_393 = arith.addf %get3A_350, %broadcast_in_dim3A_284 : vector<16xf32>
        %max3A_394 = arith.constant 0.000000e+00 : f32
        %max3A_395 = vector.broadcast %max3A_394 : f32 to vector<16xf32>
        %max3A_396 = arith.maximumf %add3A_393, %max3A_395 : vector<16xf32>
        %add3A_397 = arith.addf %while3A_344, %max3A_396 : vector<16xf32>
        %add3A_398 = arith.addf %get3A_350, %broadcast_in_dim3A_289 : vector<16xf32>
        %max3A_399 = arith.constant 0.000000e+00 : f32
        %max3A_400 = vector.broadcast %max3A_399 : f32 to vector<16xf32>
        %max3A_401 = arith.maximumf %add3A_398, %max3A_400 : vector<16xf32>
        %add3A_402 = arith.addf %add3A_362, %max3A_401 : vector<16xf32>
        %add3A_403 = arith.addf %get3A_350, %broadcast_in_dim3A_294 : vector<16xf32>
        %max3A_404 = arith.constant 0.000000e+00 : f32
        %max3A_405 = vector.broadcast %max3A_404 : f32 to vector<16xf32>
        %max3A_406 = arith.maximumf %add3A_403, %max3A_405 : vector<16xf32>
        %add3A_407 = arith.addf %add3A_367, %max3A_406 : vector<16xf32>
        %add3A_408 = arith.addf %get3A_350, %broadcast_in_dim3A_299 : vector<16xf32>
        %max3A_409 = arith.constant 0.000000e+00 : f32
        %max3A_410 = vector.broadcast %max3A_409 : f32 to vector<16xf32>
        %max3A_411 = arith.maximumf %add3A_408, %max3A_410 : vector<16xf32>
        %add3A_412 = arith.addf %add3A_372, %max3A_411 : vector<16xf32>
        %add3A_413 = arith.addf %get3A_350, %broadcast_in_dim3A_304 : vector<16xf32>
        %max3A_414 = arith.constant 0.000000e+00 : f32
        %max3A_415 = vector.broadcast %max3A_414 : f32 to vector<16xf32>
        %max3A_416 = arith.maximumf %add3A_413, %max3A_415 : vector<16xf32>
        %add3A_417 = arith.addf %add3A_377, %max3A_416 : vector<16xf32>
        %add3A_418 = arith.addf %get3A_350, %broadcast_in_dim3A_309 : vector<16xf32>
        %max3A_419 = arith.constant 0.000000e+00 : f32
        %max3A_420 = vector.broadcast %max3A_419 : f32 to vector<16xf32>
        %max3A_421 = arith.maximumf %add3A_418, %max3A_420 : vector<16xf32>
        %add3A_422 = arith.addf %add3A_382, %max3A_421 : vector<16xf32>
        %add3A_423 = arith.addf %get3A_350, %broadcast_in_dim3A_314 : vector<16xf32>
        %max3A_424 = arith.constant 0.000000e+00 : f32
        %max3A_425 = vector.broadcast %max3A_424 : f32 to vector<16xf32>
        %max3A_426 = arith.maximumf %add3A_423, %max3A_425 : vector<16xf32>
        %add3A_427 = arith.addf %add3A_387, %max3A_426 : vector<16xf32>
        %add3A_428 = arith.addf %get3A_350, %broadcast_in_dim3A_319 : vector<16xf32>
        %max3A_429 = arith.constant 0.000000e+00 : f32
        %max3A_430 = vector.broadcast %max3A_429 : f32 to vector<16xf32>
        %max3A_431 = arith.maximumf %add3A_428, %max3A_430 : vector<16xf32>
        %add3A_432 = arith.addf %add3A_392, %max3A_431 : vector<16xf32>
        %add3A_433 = arith.addf %get3A_350, %broadcast_in_dim3A_324 : vector<16xf32>
        %max3A_434 = arith.constant 0.000000e+00 : f32
        %max3A_435 = vector.broadcast %max3A_434 : f32 to vector<16xf32>
        %max3A_436 = arith.maximumf %add3A_433, %max3A_435 : vector<16xf32>
        %add3A_437 = arith.addf %add3A_397, %max3A_436 : vector<16xf32>
        %add3A_438 = arith.addf %get3A_358, %broadcast_in_dim3A_249 : vector<16xf32>
        %max3A_439 = arith.constant 0.000000e+00 : f32
        %max3A_440 = vector.broadcast %max3A_439 : f32 to vector<16xf32>
        %max3A_441 = arith.maximumf %add3A_438, %max3A_440 : vector<16xf32>
        %add3A_442 = arith.addf %add3A_422, %max3A_441 : vector<16xf32>
        %add3A_443 = arith.addf %get3A_358, %broadcast_in_dim3A_254 : vector<16xf32>
        %max3A_444 = arith.constant 0.000000e+00 : f32
        %max3A_445 = vector.broadcast %max3A_444 : f32 to vector<16xf32>
        %max3A_446 = arith.maximumf %add3A_443, %max3A_445 : vector<16xf32>
        %add3A_447 = arith.addf %add3A_427, %max3A_446 : vector<16xf32>
        %add3A_448 = arith.addf %get3A_358, %broadcast_in_dim3A_259 : vector<16xf32>
        %max3A_449 = arith.constant 0.000000e+00 : f32
        %max3A_450 = vector.broadcast %max3A_449 : f32 to vector<16xf32>
        %max3A_451 = arith.maximumf %add3A_448, %max3A_450 : vector<16xf32>
        %add3A_452 = arith.addf %add3A_432, %max3A_451 : vector<16xf32>
        %add3A_453 = arith.addf %get3A_358, %broadcast_in_dim3A_264 : vector<16xf32>
        %max3A_454 = arith.constant 0.000000e+00 : f32
        %max3A_455 = vector.broadcast %max3A_454 : f32 to vector<16xf32>
        %max3A_456 = arith.maximumf %add3A_453, %max3A_455 : vector<16xf32>
        %add3A_457 = arith.addf %add3A_437, %max3A_456 : vector<16xf32>
        %add3A_458 = arith.addf %get3A_358, %broadcast_in_dim3A_269 : vector<16xf32>
        %max3A_459 = arith.constant 0.000000e+00 : f32
        %max3A_460 = vector.broadcast %max3A_459 : f32 to vector<16xf32>
        %max3A_461 = arith.maximumf %add3A_458, %max3A_460 : vector<16xf32>
        %add3A_462 = arith.addf %add3A_402, %max3A_461 : vector<16xf32>
        %add3A_463 = arith.addf %get3A_358, %broadcast_in_dim3A_274 : vector<16xf32>
        %max3A_464 = arith.constant 0.000000e+00 : f32
        %max3A_465 = vector.broadcast %max3A_464 : f32 to vector<16xf32>
        %max3A_466 = arith.maximumf %add3A_463, %max3A_465 : vector<16xf32>
        %add3A_467 = arith.addf %add3A_407, %max3A_466 : vector<16xf32>
        %add3A_468 = arith.addf %get3A_358, %broadcast_in_dim3A_279 : vector<16xf32>
        %max3A_469 = arith.constant 0.000000e+00 : f32
        %max3A_470 = vector.broadcast %max3A_469 : f32 to vector<16xf32>
        %max3A_471 = arith.maximumf %add3A_468, %max3A_470 : vector<16xf32>
        %add3A_472 = arith.addf %add3A_412, %max3A_471 : vector<16xf32>
        %add3A_473 = arith.addf %get3A_358, %broadcast_in_dim3A_284 : vector<16xf32>
        %max3A_474 = arith.constant 0.000000e+00 : f32
        %max3A_475 = vector.broadcast %max3A_474 : f32 to vector<16xf32>
        %max3A_476 = arith.maximumf %add3A_473, %max3A_475 : vector<16xf32>
        %add3A_477 = arith.addf %add3A_417, %max3A_476 : vector<16xf32>
        %add3A_478 = arith.addf %get3A_358, %broadcast_in_dim3A_289 : vector<16xf32>
        %max3A_479 = arith.constant 0.000000e+00 : f32
        %max3A_480 = vector.broadcast %max3A_479 : f32 to vector<16xf32>
        %max3A_481 = arith.maximumf %add3A_478, %max3A_480 : vector<16xf32>
        %add3A_482 = arith.addf %add3A_442, %max3A_481 : vector<16xf32>
        %add3A_483 = arith.addf %get3A_358, %broadcast_in_dim3A_294 : vector<16xf32>
        %max3A_484 = arith.constant 0.000000e+00 : f32
        %max3A_485 = vector.broadcast %max3A_484 : f32 to vector<16xf32>
        %max3A_486 = arith.maximumf %add3A_483, %max3A_485 : vector<16xf32>
        %add3A_487 = arith.addf %add3A_447, %max3A_486 : vector<16xf32>
        %add3A_488 = arith.addf %get3A_358, %broadcast_in_dim3A_299 : vector<16xf32>
        %max3A_489 = arith.constant 0.000000e+00 : f32
        %max3A_490 = vector.broadcast %max3A_489 : f32 to vector<16xf32>
        %max3A_491 = arith.maximumf %add3A_488, %max3A_490 : vector<16xf32>
        %add3A_492 = arith.addf %add3A_452, %max3A_491 : vector<16xf32>
        %add3A_493 = arith.addf %get3A_358, %broadcast_in_dim3A_304 : vector<16xf32>
        %max3A_494 = arith.constant 0.000000e+00 : f32
        %max3A_495 = vector.broadcast %max3A_494 : f32 to vector<16xf32>
        %max3A_496 = arith.maximumf %add3A_493, %max3A_495 : vector<16xf32>
        %add3A_497 = arith.addf %add3A_457, %max3A_496 : vector<16xf32>
        %add3A_498 = arith.addf %get3A_358, %broadcast_in_dim3A_309 : vector<16xf32>
        %max3A_499 = arith.constant 0.000000e+00 : f32
        %max3A_500 = vector.broadcast %max3A_499 : f32 to vector<16xf32>
        %max3A_501 = arith.maximumf %add3A_498, %max3A_500 : vector<16xf32>
        %add3A_502 = arith.addf %add3A_462, %max3A_501 : vector<16xf32>
        %add3A_503 = arith.addf %get3A_358, %broadcast_in_dim3A_314 : vector<16xf32>
        %max3A_504 = arith.constant 0.000000e+00 : f32
        %max3A_505 = vector.broadcast %max3A_504 : f32 to vector<16xf32>
        %max3A_506 = arith.maximumf %add3A_503, %max3A_505 : vector<16xf32>
        %add3A_507 = arith.addf %add3A_467, %max3A_506 : vector<16xf32>
        %add3A_508 = arith.addf %get3A_358, %broadcast_in_dim3A_319 : vector<16xf32>
        %max3A_509 = arith.constant 0.000000e+00 : f32
        %max3A_510 = vector.broadcast %max3A_509 : f32 to vector<16xf32>
        %max3A_511 = arith.maximumf %add3A_508, %max3A_510 : vector<16xf32>
        %add3A_512 = arith.addf %add3A_472, %max3A_511 : vector<16xf32>
        %add3A_513 = arith.addf %get3A_358, %broadcast_in_dim3A_324 : vector<16xf32>
        %max3A_514 = arith.constant 0.000000e+00 : f32
        %max3A_515 = vector.broadcast %max3A_514 : f32 to vector<16xf32>
        %max3A_516 = arith.maximumf %add3A_513, %max3A_515 : vector<16xf32>
        %add3A_517 = arith.addf %add3A_477, %max3A_516 : vector<16xf32>
        scf.yield %add3A_502, %add3A_507, %add3A_512, %add3A_517, %add3A_482, %add3A_487, %add3A_492, %add3A_497 : vector<16xf32>, vector<16xf32>, vector<16xf32>, vector<16xf32>, vector<16xf32>, vector<16xf32>, vector<16xf32>, vector<16xf32>
      }
      scf.yield %while3A_335#0, %while3A_335#1, %while3A_335#2, %while3A_335#3, %while3A_335#4, %while3A_335#5, %while3A_335#6, %while3A_335#7 : vector<16xf32>, vector<16xf32>, vector<16xf32>, vector<16xf32>, vector<16xf32>, vector<16xf32>, vector<16xf32>, vector<16xf32>
    }
    %while3A_213 = arith.constant 1 : i32
    %while3A_214:8 = scf.for %while3A_233 = %while3A_210 to %while3A_206 step %while3A_213 iter_args(%while3A_234 = %while3A_212#0, %while3A_235 = %while3A_212#1, %while3A_236 = %while3A_212#2, %while3A_237 = %while3A_212#3, %while3A_238 = %while3A_212#4, %while3A_239 = %while3A_212#5, %while3A_240 = %while3A_212#6, %while3A_241 = %while3A_212#7) -> (vector<16xf32>, vector<16xf32>, vector<16xf32>, vector<16xf32>, vector<16xf32>, vector<16xf32>, vector<16xf32>, vector<16xf32>)  : i32 {
      %mul3A_242 = arith.constant 16 : i32
      %mul3A_243 = arith.muli %while3A_233, %mul3A_242 : i32
      %add3A_244 = arith.constant 16448 : i32
      %add3A_245 = arith.addi %mul3A_243, %add3A_244 : i32
      %get3A = arith.index_cast %add3A_245 : i32 to index
      %get3A_246 = tpu.vector_load %arg8[%get3A] {strides = array<i32>} : memref<24704xf32, #tpu.memory_space<vmem>>, vector<16xf32>,
      %slice3A = vector.extract_strided_slice %get3A_246 {offsets = [0], sizes = [1], strides = [1]} : vector<16xf32> to vector<1xf32>
      %squeeze3A = vector.extract %slice3A[0] : f32 from vector<1xf32>
      %sub3A_247 = arith.constant 1.000000e+00 : f32
      %sub3A_248 = arith.subf %sub3A_247, %squeeze3A : f32
      %broadcast_in_dim3A_249 = vector.broadcast %sub3A_248 : f32 to vector<16xf32>
      %slice3A_250 = vector.extract_strided_slice %get3A_246 {offsets = [1], sizes = [1], strides = [1]} : vector<16xf32> to vector<1xf32>
      %squeeze3A_251 = vector.extract %slice3A_250[0] : f32 from vector<1xf32>
      %sub3A_252 = arith.constant 1.000000e+00 : f32
      %sub3A_253 = arith.subf %sub3A_252, %squeeze3A_251 : f32
      %broadcast_in_dim3A_254 = vector.broadcast %sub3A_253 : f32 to vector<16xf32>
      %slice3A_255 = vector.extract_strided_slice %get3A_246 {offsets = [2], sizes = [1], strides = [1]} : vector<16xf32> to vector<1xf32>
      %squeeze3A_256 = vector.extract %slice3A_255[0] : f32 from vector<1xf32>
      %sub3A_257 = arith.constant 1.000000e+00 : f32
      %sub3A_258 = arith.subf %sub3A_257, %squeeze3A_256 : f32
      %broadcast_in_dim3A_259 = vector.broadcast %sub3A_258 : f32 to vector<16xf32>
      %slice3A_260 = vector.extract_strided_slice %get3A_246 {offsets = [3], sizes = [1], strides = [1]} : vector<16xf32> to vector<1xf32>
      %squeeze3A_261 = vector.extract %slice3A_260[0] : f32 from vector<1xf32>
      %sub3A_262 = arith.constant 1.000000e+00 : f32
      %sub3A_263 = arith.subf %sub3A_262, %squeeze3A_261 : f32
      %broadcast_in_dim3A_264 = vector.broadcast %sub3A_263 : f32 to vector<16xf32>
      %slice3A_265 = vector.extract_strided_slice %get3A_246 {offsets = [4], sizes = [1], strides = [1]} : vector<16xf32> to vector<1xf32>
      %squeeze3A_266 = vector.extract %slice3A_265[0] : f32 from vector<1xf32>
      %sub3A_267 = arith.constant 1.000000e+00 : f32
      %sub3A_268 = arith.subf %sub3A_267, %squeeze3A_266 : f32
      %broadcast_in_dim3A_269 = vector.broadcast %sub3A_268 : f32 to vector<16xf32>
      %slice3A_270 = vector.extract_strided_slice %get3A_246 {offsets = [5], sizes = [1], strides = [1]} : vector<16xf32> to vector<1xf32>
      %squeeze3A_271 = vector.extract %slice3A_270[0] : f32 from vector<1xf32>
      %sub3A_272 = arith.constant 1.000000e+00 : f32
      %sub3A_273 = arith.subf %sub3A_272, %squeeze3A_271 : f32
      %broadcast_in_dim3A_274 = vector.broadcast %sub3A_273 : f32 to vector<16xf32>
      %slice3A_275 = vector.extract_strided_slice %get3A_246 {offsets = [6], sizes = [1], strides = [1]} : vector<16xf32> to vector<1xf32>
      %squeeze3A_276 = vector.extract %slice3A_275[0] : f32 from vector<1xf32>
      %sub3A_277 = arith.constant 1.000000e+00 : f32
      %sub3A_278 = arith.subf %sub3A_277, %squeeze3A_276 : f32
      %broadcast_in_dim3A_279 = vector.broadcast %sub3A_278 : f32 to vector<16xf32>
      %slice3A_280 = vector.extract_strided_slice %get3A_246 {offsets = [7], sizes = [1], strides = [1]} : vector<16xf32> to vector<1xf32>
      %squeeze3A_281 = vector.extract %slice3A_280[0] : f32 from vector<1xf32>
      %sub3A_282 = arith.constant 1.000000e+00 : f32
      %sub3A_283 = arith.subf %sub3A_282, %squeeze3A_281 : f32
      %broadcast_in_dim3A_284 = vector.broadcast %sub3A_283 : f32 to vector<16xf32>
      %slice3A_285 = vector.extract_strided_slice %get3A_246 {offsets = [8], sizes = [1], strides = [1]} : vector<16xf32> to vector<1xf32>
      %squeeze3A_286 = vector.extract %slice3A_285[0] : f32 from vector<1xf32>
      %sub3A_287 = arith.constant 1.000000e+00 : f32
      %sub3A_288 = arith.subf %sub3A_287, %squeeze3A_286 : f32
      %broadcast_in_dim3A_289 = vector.broadcast %sub3A_288 : f32 to vector<16xf32>
      %slice3A_290 = vector.extract_strided_slice %get3A_246 {offsets = [9], sizes = [1], strides = [1]} : vector<16xf32> to vector<1xf32>
      %squeeze3A_291 = vector.extract %slice3A_290[0] : f32 from vector<1xf32>
      %sub3A_292 = arith.constant 1.000000e+00 : f32
      %sub3A_293 = arith.subf %sub3A_292, %squeeze3A_291 : f32
      %broadcast_in_dim3A_294 = vector.broadcast %sub3A_293 : f32 to vector<16xf32>
      %slice3A_295 = vector.extract_strided_slice %get3A_246 {offsets = [10], sizes = [1], strides = [1]} : vector<16xf32> to vector<1xf32>
      %squeeze3A_296 = vector.extract %slice3A_295[0] : f32 from vector<1xf32>
      %sub3A_297 = arith.constant 1.000000e+00 : f32
      %sub3A_298 = arith.subf %sub3A_297, %squeeze3A_296 : f32
      %broadcast_in_dim3A_299 = vector.broadcast %sub3A_298 : f32 to vector<16xf32>
      %slice3A_300 = vector.extract_strided_slice %get3A_246 {offsets = [11], sizes = [1], strides = [1]} : vector<16xf32> to vector<1xf32>
      %squeeze3A_301 = vector.extract %slice3A_300[0] : f32 from vector<1xf32>
      %sub3A_302 = arith.constant 1.000000e+00 : f32
      %sub3A_303 = arith.subf %sub3A_302, %squeeze3A_301 : f32
      %broadcast_in_dim3A_304 = vector.broadcast %sub3A_303 : f32 to vector<16xf32>
      %slice3A_305 = vector.extract_strided_slice %get3A_246 {offsets = [12], sizes = [1], strides = [1]} : vector<16xf32> to vector<1xf32>
      %squeeze3A_306 = vector.extract %slice3A_305[0] : f32 from vector<1xf32>
      %sub3A_307 = arith.constant 1.000000e+00 : f32
      %sub3A_308 = arith.subf %sub3A_307, %squeeze3A_306 : f32
      %broadcast_in_dim3A_309 = vector.broadcast %sub3A_308 : f32 to vector<16xf32>
      %slice3A_310 = vector.extract_strided_slice %get3A_246 {offsets = [13], sizes = [1], strides = [1]} : vector<16xf32> to vector<1xf32>
      %squeeze3A_311 = vector.extract %slice3A_310[0] : f32 from vector<1xf32>
      %sub3A_312 = arith.constant 1.000000e+00 : f32
      %sub3A_313 = arith.subf %sub3A_312, %squeeze3A_311 : f32
      %broadcast_in_dim3A_314 = vector.broadcast %sub3A_313 : f32 to vector<16xf32>
      %slice3A_315 = vector.extract_strided_slice %get3A_246 {offsets = [14], sizes = [1], strides = [1]} : vector<16xf32> to vector<1xf32>
      %squeeze3A_316 = vector.extract %slice3A_315[0] : f32 from vector<1xf32>
      %sub3A_317 = arith.constant 1.000000e+00 : f32
      %sub3A_318 = arith.subf %sub3A_317, %squeeze3A_316 : f32
      %broadcast_in_dim3A_319 = vector.broadcast %sub3A_318 : f32 to vector<16xf32>
      %slice3A_320 = vector.extract_strided_slice %get3A_246 {offsets = [15], sizes = [1], strides = [1]} : vector<16xf32> to vector<1xf32>
      %squeeze3A_321 = vector.extract %slice3A_320[0] : f32 from vector<1xf32>
      %sub3A_322 = arith.constant 1.000000e+00 : f32
      %sub3A_323 = arith.subf %sub3A_322, %squeeze3A_321 : f32
      %broadcast_in_dim3A_324 = vector.broadcast %sub3A_323 : f32 to vector<16xf32>
      %while3A_325 = arith.constant 0 : i32
      %while3A_326 = arith.subi %select_n3A_201, %while3A_325 : i32
      %while3A_327 = arith.addi %while3A_325, %while3A_326 : i32
      %while3A_328 = arith.constant 1 : i32
      %while3A_329 = arith.divsi %while3A_326, %while3A_328 : i32
      %while3A_330 = arith.muli %while3A_329, %while3A_328 : i32
      %while3A_331 = arith.addi %while3A_325, %while3A_330 : i32
      %while3A_332 = arith.constant 1 : i32
      %while3A_333:8 = scf.for %while3A_336 = %while3A_325 to %while3A_331 step %while3A_332 iter_args(%while3A_337 = %while3A_234, %while3A_338 = %while3A_235, %while3A_339 = %while3A_236, %while3A_340 = %while3A_237, %while3A_341 = %while3A_238, %while3A_342 = %while3A_239, %while3A_343 = %while3A_240, %while3A_344 = %while3A_241) -> (vector<16xf32>, vector<16xf32>, vector<16xf32>, vector<16xf32>, vector<16xf32>, vector<16xf32>, vector<16xf32>, vector<16xf32>)  : i32 {
        %mul3A_345 = arith.constant 2 : i32
        %mul3A_346 = arith.muli %while3A_336, %mul3A_345 : i32
        %mul3A_347 = arith.constant 16 : i32
        %mul3A_348 = arith.muli %mul3A_346, %mul3A_347 : i32
        %get3A_349 = arith.index_cast %mul3A_348 : i32 to index
        %get3A_350 = tpu.vector_load %arg8[%get3A_349] {strides = array<i32>} : memref<24704xf32, #tpu.memory_space<vmem>>, vector<16xf32>,
        %mul3A_351 = arith.constant 2 : i32
        %mul3A_352 = arith.muli %while3A_336, %mul3A_351 : i32
        %mul3A_353 = arith.constant 16 : i32
        %mul3A_354 = arith.muli %mul3A_352, %mul3A_353 : i32
        %add3A_355 = arith.constant 16 : i32
        %add3A_356 = arith.addi %mul3A_354, %add3A_355 : i32
        %get3A_357 = arith.index_cast %add3A_356 : i32 to index
        %get3A_358 = tpu.vector_load %arg8[%get3A_357] {strides = array<i32>} : memref<24704xf32, #tpu.memory_space<vmem>>, vector<16xf32>,
        %add3A_359 = arith.addf %get3A_350, %broadcast_in_dim3A_249 : vector<16xf32>
        %max3A = arith.constant 0.000000e+00 : f32
        %max3A_360 = vector.broadcast %max3A : f32 to vector<16xf32>
        %max3A_361 = arith.maximumf %add3A_359, %max3A_360 : vector<16xf32>
        %add3A_362 = arith.addf %while3A_337, %max3A_361 : vector<16xf32>
        %add3A_363 = arith.addf %get3A_350, %broadcast_in_dim3A_254 : vector<16xf32>
        %max3A_364 = arith.constant 0.000000e+00 : f32
        %max3A_365 = vector.broadcast %max3A_364 : f32 to vector<16xf32>
        %max3A_366 = arith.maximumf %add3A_363, %max3A_365 : vector<16xf32>
        %add3A_367 = arith.addf %while3A_338, %max3A_366 : vector<16xf32>
        %add3A_368 = arith.addf %get3A_350, %broadcast_in_dim3A_259 : vector<16xf32>
        %max3A_369 = arith.constant 0.000000e+00 : f32
        %max3A_370 = vector.broadcast %max3A_369 : f32 to vector<16xf32>
        %max3A_371 = arith.maximumf %add3A_368, %max3A_370 : vector<16xf32>
        %add3A_372 = arith.addf %while3A_339, %max3A_371 : vector<16xf32>
        %add3A_373 = arith.addf %get3A_350, %broadcast_in_dim3A_264 : vector<16xf32>
        %max3A_374 = arith.constant 0.000000e+00 : f32
        %max3A_375 = vector.broadcast %max3A_374 : f32 to vector<16xf32>
        %max3A_376 = arith.maximumf %add3A_373, %max3A_375 : vector<16xf32>
        %add3A_377 = arith.addf %while3A_340, %max3A_376 : vector<16xf32>
        %add3A_378 = arith.addf %get3A_350, %broadcast_in_dim3A_269 : vector<16xf32>
        %max3A_379 = arith.constant 0.000000e+00 : f32
        %max3A_380 = vector.broadcast %max3A_379 : f32 to vector<16xf32>
        %max3A_381 = arith.maximumf %add3A_378, %max3A_380 : vector<16xf32>
        %add3A_382 = arith.addf %while3A_341, %max3A_381 : vector<16xf32>
        %add3A_383 = arith.addf %get3A_350, %broadcast_in_dim3A_274 : vector<16xf32>
        %max3A_384 = arith.constant 0.000000e+00 : f32
        %max3A_385 = vector.broadcast %max3A_384 : f32 to vector<16xf32>
        %max3A_386 = arith.maximumf %add3A_383, %max3A_385 : vector<16xf32>
        %add3A_387 = arith.addf %while3A_342, %max3A_386 : vector<16xf32>
        %add3A_388 = arith.addf %get3A_350, %broadcast_in_dim3A_279 : vector<16xf32>
        %max3A_389 = arith.constant 0.000000e+00 : f32
        %max3A_390 = vector.broadcast %max3A_389 : f32 to vector<16xf32>
        %max3A_391 = arith.maximumf %add3A_388, %max3A_390 : vector<16xf32>
        %add3A_392 = arith.addf %while3A_343, %max3A_391 : vector<16xf32>
        %add3A_393 = arith.addf %get3A_350, %broadcast_in_dim3A_284 : vector<16xf32>
        %max3A_394 = arith.constant 0.000000e+00 : f32
        %max3A_395 = vector.broadcast %max3A_394 : f32 to vector<16xf32>
        %max3A_396 = arith.maximumf %add3A_393, %max3A_395 : vector<16xf32>
        %add3A_397 = arith.addf %while3A_344, %max3A_396 : vector<16xf32>
        %add3A_398 = arith.addf %get3A_350, %broadcast_in_dim3A_289 : vector<16xf32>
        %max3A_399 = arith.constant 0.000000e+00 : f32
        %max3A_400 = vector.broadcast %max3A_399 : f32 to vector<16xf32>
        %max3A_401 = arith.maximumf %add3A_398, %max3A_400 : vector<16xf32>
        %add3A_402 = arith.addf %add3A_362, %max3A_401 : vector<16xf32>
        %add3A_403 = arith.addf %get3A_350, %broadcast_in_dim3A_294 : vector<16xf32>
        %max3A_404 = arith.constant 0.000000e+00 : f32
        %max3A_405 = vector.broadcast %max3A_404 : f32 to vector<16xf32>
        %max3A_406 = arith.maximumf %add3A_403, %max3A_405 : vector<16xf32>
        %add3A_407 = arith.addf %add3A_367, %max3A_406 : vector<16xf32>
        %add3A_408 = arith.addf %get3A_350, %broadcast_in_dim3A_299 : vector<16xf32>
        %max3A_409 = arith.constant 0.000000e+00 : f32
        %max3A_410 = vector.broadcast %max3A_409 : f32 to vector<16xf32>
        %max3A_411 = arith.maximumf %add3A_408, %max3A_410 : vector<16xf32>
        %add3A_412 = arith.addf %add3A_372, %max3A_411 : vector<16xf32>
        %add3A_413 = arith.addf %get3A_350, %broadcast_in_dim3A_304 : vector<16xf32>
        %max3A_414 = arith.constant 0.000000e+00 : f32
        %max3A_415 = vector.broadcast %max3A_414 : f32 to vector<16xf32>
        %max3A_416 = arith.maximumf %add3A_413, %max3A_415 : vector<16xf32>
        %add3A_417 = arith.addf %add3A_377, %max3A_416 : vector<16xf32>
        %add3A_418 = arith.addf %get3A_350, %broadcast_in_dim3A_309 : vector<16xf32>
        %max3A_419 = arith.constant 0.000000e+00 : f32
        %max3A_420 = vector.broadcast %max3A_419 : f32 to vector<16xf32>
        %max3A_421 = arith.maximumf %add3A_418, %max3A_420 : vector<16xf32>
        %add3A_422 = arith.addf %add3A_382, %max3A_421 : vector<16xf32>
        %add3A_423 = arith.addf %get3A_350, %broadcast_in_dim3A_314 : vector<16xf32>
        %max3A_424 = arith.constant 0.000000e+00 : f32
        %max3A_425 = vector.broadcast %max3A_424 : f32 to vector<16xf32>
        %max3A_426 = arith.maximumf %add3A_423, %max3A_425 : vector<16xf32>
        %add3A_427 = arith.addf %add3A_387, %max3A_426 : vector<16xf32>
        %add3A_428 = arith.addf %get3A_350, %broadcast_in_dim3A_319 : vector<16xf32>
        %max3A_429 = arith.constant 0.000000e+00 : f32
        %max3A_430 = vector.broadcast %max3A_429 : f32 to vector<16xf32>
        %max3A_431 = arith.maximumf %add3A_428, %max3A_430 : vector<16xf32>
        %add3A_432 = arith.addf %add3A_392, %max3A_431 : vector<16xf32>
        %add3A_433 = arith.addf %get3A_350, %broadcast_in_dim3A_324 : vector<16xf32>
        %max3A_434 = arith.constant 0.000000e+00 : f32
        %max3A_435 = vector.broadcast %max3A_434 : f32 to vector<16xf32>
        %max3A_436 = arith.maximumf %add3A_433, %max3A_435 : vector<16xf32>
        %add3A_437 = arith.addf %add3A_397, %max3A_436 : vector<16xf32>
        %add3A_438 = arith.addf %get3A_358, %broadcast_in_dim3A_249 : vector<16xf32>
        %max3A_439 = arith.constant 0.000000e+00 : f32
        %max3A_440 = vector.broadcast %max3A_439 : f32 to vector<16xf32>
        %max3A_441 = arith.maximumf %add3A_438, %max3A_440 : vector<16xf32>
        %add3A_442 = arith.addf %add3A_422, %max3A_441 : vector<16xf32>
        %add3A_443 = arith.addf %get3A_358, %broadcast_in_dim3A_254 : vector<16xf32>
        %max3A_444 = arith.constant 0.000000e+00 : f32
        %max3A_445 = vector.broadcast %max3A_444 : f32 to vector<16xf32>
        %max3A_446 = arith.maximumf %add3A_443, %max3A_445 : vector<16xf32>
        %add3A_447 = arith.addf %add3A_427, %max3A_446 : vector<16xf32>
        %add3A_448 = arith.addf %get3A_358, %broadcast_in_dim3A_259 : vector<16xf32>
        %max3A_449 = arith.constant 0.000000e+00 : f32
        %max3A_450 = vector.broadcast %max3A_449 : f32 to vector<16xf32>
        %max3A_451 = arith.maximumf %add3A_448, %max3A_450 : vector<16xf32>
        %add3A_452 = arith.addf %add3A_432, %max3A_451 : vector<16xf32>
        %add3A_453 = arith.addf %get3A_358, %broadcast_in_dim3A_264 : vector<16xf32>
        %max3A_454 = arith.constant 0.000000e+00 : f32
        %max3A_455 = vector.broadcast %max3A_454 : f32 to vector<16xf32>
        %max3A_456 = arith.maximumf %add3A_453, %max3A_455 : vector<16xf32>
        %add3A_457 = arith.addf %add3A_437, %max3A_456 : vector<16xf32>
        %add3A_458 = arith.addf %get3A_358, %broadcast_in_dim3A_269 : vector<16xf32>
        %max3A_459 = arith.constant 0.000000e+00 : f32
        %max3A_460 = vector.broadcast %max3A_459 : f32 to vector<16xf32>
        %max3A_461 = arith.maximumf %add3A_458, %max3A_460 : vector<16xf32>
        %add3A_462 = arith.addf %add3A_402, %max3A_461 : vector<16xf32>
        %add3A_463 = arith.addf %get3A_358, %broadcast_in_dim3A_274 : vector<16xf32>
        %max3A_464 = arith.constant 0.000000e+00 : f32
        %max3A_465 = vector.broadcast %max3A_464 : f32 to vector<16xf32>
        %max3A_466 = arith.maximumf %add3A_463, %max3A_465 : vector<16xf32>
        %add3A_467 = arith.addf %add3A_407, %max3A_466 : vector<16xf32>
        %add3A_468 = arith.addf %get3A_358, %broadcast_in_dim3A_279 : vector<16xf32>
        %max3A_469 = arith.constant 0.000000e+00 : f32
        %max3A_470 = vector.broadcast %max3A_469 : f32 to vector<16xf32>
        %max3A_471 = arith.maximumf %add3A_468, %max3A_470 : vector<16xf32>
        %add3A_472 = arith.addf %add3A_412, %max3A_471 : vector<16xf32>
        %add3A_473 = arith.addf %get3A_358, %broadcast_in_dim3A_284 : vector<16xf32>
        %max3A_474 = arith.constant 0.000000e+00 : f32
        %max3A_475 = vector.broadcast %max3A_474 : f32 to vector<16xf32>
        %max3A_476 = arith.maximumf %add3A_473, %max3A_475 : vector<16xf32>
        %add3A_477 = arith.addf %add3A_417, %max3A_476 : vector<16xf32>
        %add3A_478 = arith.addf %get3A_358, %broadcast_in_dim3A_289 : vector<16xf32>
        %max3A_479 = arith.constant 0.000000e+00 : f32
        %max3A_480 = vector.broadcast %max3A_479 : f32 to vector<16xf32>
        %max3A_481 = arith.maximumf %add3A_478, %max3A_480 : vector<16xf32>
        %add3A_482 = arith.addf %add3A_442, %max3A_481 : vector<16xf32>
        %add3A_483 = arith.addf %get3A_358, %broadcast_in_dim3A_294 : vector<16xf32>
        %max3A_484 = arith.constant 0.000000e+00 : f32
        %max3A_485 = vector.broadcast %max3A_484 : f32 to vector<16xf32>
        %max3A_486 = arith.maximumf %add3A_483, %max3A_485 : vector<16xf32>
        %add3A_487 = arith.addf %add3A_447, %max3A_486 : vector<16xf32>
        %add3A_488 = arith.addf %get3A_358, %broadcast_in_dim3A_299 : vector<16xf32>
        %max3A_489 = arith.constant 0.000000e+00 : f32
        %max3A_490 = vector.broadcast %max3A_489 : f32 to vector<16xf32>
        %max3A_491 = arith.maximumf %add3A_488, %max3A_490 : vector<16xf32>
        %add3A_492 = arith.addf %add3A_452, %max3A_491 : vector<16xf32>
        %add3A_493 = arith.addf %get3A_358, %broadcast_in_dim3A_304 : vector<16xf32>
        %max3A_494 = arith.constant 0.000000e+00 : f32
        %max3A_495 = vector.broadcast %max3A_494 : f32 to vector<16xf32>
        %max3A_496 = arith.maximumf %add3A_493, %max3A_495 : vector<16xf32>
        %add3A_497 = arith.addf %add3A_457, %max3A_496 : vector<16xf32>
        %add3A_498 = arith.addf %get3A_358, %broadcast_in_dim3A_309 : vector<16xf32>
        %max3A_499 = arith.constant 0.000000e+00 : f32
        %max3A_500 = vector.broadcast %max3A_499 : f32 to vector<16xf32>
        %max3A_501 = arith.maximumf %add3A_498, %max3A_500 : vector<16xf32>
        %add3A_502 = arith.addf %add3A_462, %max3A_501 : vector<16xf32>
        %add3A_503 = arith.addf %get3A_358, %broadcast_in_dim3A_314 : vector<16xf32>
        %max3A_504 = arith.constant 0.000000e+00 : f32
        %max3A_505 = vector.broadcast %max3A_504 : f32 to vector<16xf32>
        %max3A_506 = arith.maximumf %add3A_503, %max3A_505 : vector<16xf32>
        %add3A_507 = arith.addf %add3A_467, %max3A_506 : vector<16xf32>
        %add3A_508 = arith.addf %get3A_358, %broadcast_in_dim3A_319 : vector<16xf32>
        %max3A_509 = arith.constant 0.000000e+00 : f32
        %max3A_510 = vector.broadcast %max3A_509 : f32 to vector<16xf32>
        %max3A_511 = arith.maximumf %add3A_508, %max3A_510 : vector<16xf32>
        %add3A_512 = arith.addf %add3A_472, %max3A_511 : vector<16xf32>
        %add3A_513 = arith.addf %get3A_358, %broadcast_in_dim3A_324 : vector<16xf32>
        %max3A_514 = arith.constant 0.000000e+00 : f32
        %max3A_515 = vector.broadcast %max3A_514 : f32 to vector<16xf32>
        %max3A_516 = arith.maximumf %add3A_513, %max3A_515 : vector<16xf32>
        %add3A_517 = arith.addf %add3A_477, %max3A_516 : vector<16xf32>
        scf.yield %add3A_502, %add3A_507, %add3A_512, %add3A_517, %add3A_482, %add3A_487, %add3A_492, %add3A_497 : vector<16xf32>, vector<16xf32>, vector<16xf32>, vector<16xf32>, vector<16xf32>, vector<16xf32>, vector<16xf32>, vector<16xf32>
      }
      %while3A_334 = arith.constant 1 : i32
      %while3A_335:8 = scf.for %while3A_336 = %while3A_331 to %while3A_327 step %while3A_334 iter_args(%while3A_337 = %while3A_333#0, %while3A_338 = %while3A_333#1, %while3A_339 = %while3A_333#2, %while3A_340 = %while3A_333#3, %while3A_341 = %while3A_333#4, %while3A_342 = %while3A_333#5, %while3A_343 = %while3A_333#6, %while3A_344 = %while3A_333#7) -> (vector<16xf32>, vector<16xf32>, vector<16xf32>, vector<16xf32>, vector<16xf32>, vector<16xf32>, vector<16xf32>, vector<16xf32>)  : i32 {
        %mul3A_345 = arith.constant 2 : i32
        %mul3A_346 = arith.muli %while3A_336, %mul3A_345 : i32
        %mul3A_347 = arith.constant 16 : i32
        %mul3A_348 = arith.muli %mul3A_346, %mul3A_347 : i32
        %get3A_349 = arith.index_cast %mul3A_348 : i32 to index
        %get3A_350 = tpu.vector_load %arg8[%get3A_349] {strides = array<i32>} : memref<24704xf32, #tpu.memory_space<vmem>>, vector<16xf32>,
        %mul3A_351 = arith.constant 2 : i32
        %mul3A_352 = arith.muli %while3A_336, %mul3A_351 : i32
        %mul3A_353 = arith.constant 16 : i32
        %mul3A_354 = arith.muli %mul3A_352, %mul3A_353 : i32
        %add3A_355 = arith.constant 16 : i32
        %add3A_356 = arith.addi %mul3A_354, %add3A_355 : i32
        %get3A_357 = arith.index_cast %add3A_356 : i32 to index
        %get3A_358 = tpu.vector_load %arg8[%get3A_357] {strides = array<i32>} : memref<24704xf32, #tpu.memory_space<vmem>>, vector<16xf32>,
        %add3A_359 = arith.addf %get3A_350, %broadcast_in_dim3A_249 : vector<16xf32>
        %max3A = arith.constant 0.000000e+00 : f32
        %max3A_360 = vector.broadcast %max3A : f32 to vector<16xf32>
        %max3A_361 = arith.maximumf %add3A_359, %max3A_360 : vector<16xf32>
        %add3A_362 = arith.addf %while3A_337, %max3A_361 : vector<16xf32>
        %add3A_363 = arith.addf %get3A_350, %broadcast_in_dim3A_254 : vector<16xf32>
        %max3A_364 = arith.constant 0.000000e+00 : f32
        %max3A_365 = vector.broadcast %max3A_364 : f32 to vector<16xf32>
        %max3A_366 = arith.maximumf %add3A_363, %max3A_365 : vector<16xf32>
        %add3A_367 = arith.addf %while3A_338, %max3A_366 : vector<16xf32>
        %add3A_368 = arith.addf %get3A_350, %broadcast_in_dim3A_259 : vector<16xf32>
        %max3A_369 = arith.constant 0.000000e+00 : f32
        %max3A_370 = vector.broadcast %max3A_369 : f32 to vector<16xf32>
        %max3A_371 = arith.maximumf %add3A_368, %max3A_370 : vector<16xf32>
        %add3A_372 = arith.addf %while3A_339, %max3A_371 : vector<16xf32>
        %add3A_373 = arith.addf %get3A_350, %broadcast_in_dim3A_264 : vector<16xf32>
        %max3A_374 = arith.constant 0.000000e+00 : f32
        %max3A_375 = vector.broadcast %max3A_374 : f32 to vector<16xf32>
        %max3A_376 = arith.maximumf %add3A_373, %max3A_375 : vector<16xf32>
        %add3A_377 = arith.addf %while3A_340, %max3A_376 : vector<16xf32>
        %add3A_378 = arith.addf %get3A_350, %broadcast_in_dim3A_269 : vector<16xf32>
        %max3A_379 = arith.constant 0.000000e+00 : f32
        %max3A_380 = vector.broadcast %max3A_379 : f32 to vector<16xf32>
        %max3A_381 = arith.maximumf %add3A_378, %max3A_380 : vector<16xf32>
        %add3A_382 = arith.addf %while3A_341, %max3A_381 : vector<16xf32>
        %add3A_383 = arith.addf %get3A_350, %broadcast_in_dim3A_274 : vector<16xf32>
        %max3A_384 = arith.constant 0.000000e+00 : f32
        %max3A_385 = vector.broadcast %max3A_384 : f32 to vector<16xf32>
        %max3A_386 = arith.maximumf %add3A_383, %max3A_385 : vector<16xf32>
        %add3A_387 = arith.addf %while3A_342, %max3A_386 : vector<16xf32>
        %add3A_388 = arith.addf %get3A_350, %broadcast_in_dim3A_279 : vector<16xf32>
        %max3A_389 = arith.constant 0.000000e+00 : f32
        %max3A_390 = vector.broadcast %max3A_389 : f32 to vector<16xf32>
        %max3A_391 = arith.maximumf %add3A_388, %max3A_390 : vector<16xf32>
        %add3A_392 = arith.addf %while3A_343, %max3A_391 : vector<16xf32>
        %add3A_393 = arith.addf %get3A_350, %broadcast_in_dim3A_284 : vector<16xf32>
        %max3A_394 = arith.constant 0.000000e+00 : f32
        %max3A_395 = vector.broadcast %max3A_394 : f32 to vector<16xf32>
        %max3A_396 = arith.maximumf %add3A_393, %max3A_395 : vector<16xf32>
        %add3A_397 = arith.addf %while3A_344, %max3A_396 : vector<16xf32>
        %add3A_398 = arith.addf %get3A_350, %broadcast_in_dim3A_289 : vector<16xf32>
        %max3A_399 = arith.constant 0.000000e+00 : f32
        %max3A_400 = vector.broadcast %max3A_399 : f32 to vector<16xf32>
        %max3A_401 = arith.maximumf %add3A_398, %max3A_400 : vector<16xf32>
        %add3A_402 = arith.addf %add3A_362, %max3A_401 : vector<16xf32>
        %add3A_403 = arith.addf %get3A_350, %broadcast_in_dim3A_294 : vector<16xf32>
        %max3A_404 = arith.constant 0.000000e+00 : f32
        %max3A_405 = vector.broadcast %max3A_404 : f32 to vector<16xf32>
        %max3A_406 = arith.maximumf %add3A_403, %max3A_405 : vector<16xf32>
        %add3A_407 = arith.addf %add3A_367, %max3A_406 : vector<16xf32>
        %add3A_408 = arith.addf %get3A_350, %broadcast_in_dim3A_299 : vector<16xf32>
        %max3A_409 = arith.constant 0.000000e+00 : f32
        %max3A_410 = vector.broadcast %max3A_409 : f32 to vector<16xf32>
        %max3A_411 = arith.maximumf %add3A_408, %max3A_410 : vector<16xf32>
        %add3A_412 = arith.addf %add3A_372, %max3A_411 : vector<16xf32>
        %add3A_413 = arith.addf %get3A_350, %broadcast_in_dim3A_304 : vector<16xf32>
        %max3A_414 = arith.constant 0.000000e+00 : f32
        %max3A_415 = vector.broadcast %max3A_414 : f32 to vector<16xf32>
        %max3A_416 = arith.maximumf %add3A_413, %max3A_415 : vector<16xf32>
        %add3A_417 = arith.addf %add3A_377, %max3A_416 : vector<16xf32>
        %add3A_418 = arith.addf %get3A_350, %broadcast_in_dim3A_309 : vector<16xf32>
        %max3A_419 = arith.constant 0.000000e+00 : f32
        %max3A_420 = vector.broadcast %max3A_419 : f32 to vector<16xf32>
        %max3A_421 = arith.maximumf %add3A_418, %max3A_420 : vector<16xf32>
        %add3A_422 = arith.addf %add3A_382, %max3A_421 : vector<16xf32>
        %add3A_423 = arith.addf %get3A_350, %broadcast_in_dim3A_314 : vector<16xf32>
        %max3A_424 = arith.constant 0.000000e+00 : f32
        %max3A_425 = vector.broadcast %max3A_424 : f32 to vector<16xf32>
        %max3A_426 = arith.maximumf %add3A_423, %max3A_425 : vector<16xf32>
        %add3A_427 = arith.addf %add3A_387, %max3A_426 : vector<16xf32>
        %add3A_428 = arith.addf %get3A_350, %broadcast_in_dim3A_319 : vector<16xf32>
        %max3A_429 = arith.constant 0.000000e+00 : f32
        %max3A_430 = vector.broadcast %max3A_429 : f32 to vector<16xf32>
        %max3A_431 = arith.maximumf %add3A_428, %max3A_430 : vector<16xf32>
        %add3A_432 = arith.addf %add3A_392, %max3A_431 : vector<16xf32>
        %add3A_433 = arith.addf %get3A_350, %broadcast_in_dim3A_324 : vector<16xf32>
        %max3A_434 = arith.constant 0.000000e+00 : f32
        %max3A_435 = vector.broadcast %max3A_434 : f32 to vector<16xf32>
        %max3A_436 = arith.maximumf %add3A_433, %max3A_435 : vector<16xf32>
        %add3A_437 = arith.addf %add3A_397, %max3A_436 : vector<16xf32>
        %add3A_438 = arith.addf %get3A_358, %broadcast_in_dim3A_249 : vector<16xf32>
        %max3A_439 = arith.constant 0.000000e+00 : f32
        %max3A_440 = vector.broadcast %max3A_439 : f32 to vector<16xf32>
        %max3A_441 = arith.maximumf %add3A_438, %max3A_440 : vector<16xf32>
        %add3A_442 = arith.addf %add3A_422, %max3A_441 : vector<16xf32>
        %add3A_443 = arith.addf %get3A_358, %broadcast_in_dim3A_254 : vector<16xf32>
        %max3A_444 = arith.constant 0.000000e+00 : f32
        %max3A_445 = vector.broadcast %max3A_444 : f32 to vector<16xf32>
        %max3A_446 = arith.maximumf %add3A_443, %max3A_445 : vector<16xf32>
        %add3A_447 = arith.addf %add3A_427, %max3A_446 : vector<16xf32>
        %add3A_448 = arith.addf %get3A_358, %broadcast_in_dim3A_259 : vector<16xf32>
        %max3A_449 = arith.constant 0.000000e+00 : f32
        %max3A_450 = vector.broadcast %max3A_449 : f32 to vector<16xf32>
        %max3A_451 = arith.maximumf %add3A_448, %max3A_450 : vector<16xf32>
        %add3A_452 = arith.addf %add3A_432, %max3A_451 : vector<16xf32>
        %add3A_453 = arith.addf %get3A_358, %broadcast_in_dim3A_264 : vector<16xf32>
        %max3A_454 = arith.constant 0.000000e+00 : f32
        %max3A_455 = vector.broadcast %max3A_454 : f32 to vector<16xf32>
        %max3A_456 = arith.maximumf %add3A_453, %max3A_455 : vector<16xf32>
        %add3A_457 = arith.addf %add3A_437, %max3A_456 : vector<16xf32>
        %add3A_458 = arith.addf %get3A_358, %broadcast_in_dim3A_269 : vector<16xf32>
        %max3A_459 = arith.constant 0.000000e+00 : f32
        %max3A_460 = vector.broadcast %max3A_459 : f32 to vector<16xf32>
        %max3A_461 = arith.maximumf %add3A_458, %max3A_460 : vector<16xf32>
        %add3A_462 = arith.addf %add3A_402, %max3A_461 : vector<16xf32>
        %add3A_463 = arith.addf %get3A_358, %broadcast_in_dim3A_274 : vector<16xf32>
        %max3A_464 = arith.constant 0.000000e+00 : f32
        %max3A_465 = vector.broadcast %max3A_464 : f32 to vector<16xf32>
        %max3A_466 = arith.maximumf %add3A_463, %max3A_465 : vector<16xf32>
        %add3A_467 = arith.addf %add3A_407, %max3A_466 : vector<16xf32>
        %add3A_468 = arith.addf %get3A_358, %broadcast_in_dim3A_279 : vector<16xf32>
        %max3A_469 = arith.constant 0.000000e+00 : f32
        %max3A_470 = vector.broadcast %max3A_469 : f32 to vector<16xf32>
        %max3A_471 = arith.maximumf %add3A_468, %max3A_470 : vector<16xf32>
        %add3A_472 = arith.addf %add3A_412, %max3A_471 : vector<16xf32>
        %add3A_473 = arith.addf %get3A_358, %broadcast_in_dim3A_284 : vector<16xf32>
        %max3A_474 = arith.constant 0.000000e+00 : f32
        %max3A_475 = vector.broadcast %max3A_474 : f32 to vector<16xf32>
        %max3A_476 = arith.maximumf %add3A_473, %max3A_475 : vector<16xf32>
        %add3A_477 = arith.addf %add3A_417, %max3A_476 : vector<16xf32>
        %add3A_478 = arith.addf %get3A_358, %broadcast_in_dim3A_289 : vector<16xf32>
        %max3A_479 = arith.constant 0.000000e+00 : f32
        %max3A_480 = vector.broadcast %max3A_479 : f32 to vector<16xf32>
        %max3A_481 = arith.maximumf %add3A_478, %max3A_480 : vector<16xf32>
        %add3A_482 = arith.addf %add3A_442, %max3A_481 : vector<16xf32>
        %add3A_483 = arith.addf %get3A_358, %broadcast_in_dim3A_294 : vector<16xf32>
        %max3A_484 = arith.constant 0.000000e+00 : f32
        %max3A_485 = vector.broadcast %max3A_484 : f32 to vector<16xf32>
        %max3A_486 = arith.maximumf %add3A_483, %max3A_485 : vector<16xf32>
        %add3A_487 = arith.addf %add3A_447, %max3A_486 : vector<16xf32>
        %add3A_488 = arith.addf %get3A_358, %broadcast_in_dim3A_299 : vector<16xf32>
        %max3A_489 = arith.constant 0.000000e+00 : f32
        %max3A_490 = vector.broadcast %max3A_489 : f32 to vector<16xf32>
        %max3A_491 = arith.maximumf %add3A_488, %max3A_490 : vector<16xf32>
        %add3A_492 = arith.addf %add3A_452, %max3A_491 : vector<16xf32>
        %add3A_493 = arith.addf %get3A_358, %broadcast_in_dim3A_304 : vector<16xf32>
        %max3A_494 = arith.constant 0.000000e+00 : f32
        %max3A_495 = vector.broadcast %max3A_494 : f32 to vector<16xf32>
        %max3A_496 = arith.maximumf %add3A_493, %max3A_495 : vector<16xf32>
        %add3A_497 = arith.addf %add3A_457, %max3A_496 : vector<16xf32>
        %add3A_498 = arith.addf %get3A_358, %broadcast_in_dim3A_309 : vector<16xf32>
        %max3A_499 = arith.constant 0.000000e+00 : f32
        %max3A_500 = vector.broadcast %max3A_499 : f32 to vector<16xf32>
        %max3A_501 = arith.maximumf %add3A_498, %max3A_500 : vector<16xf32>
        %add3A_502 = arith.addf %add3A_462, %max3A_501 : vector<16xf32>
        %add3A_503 = arith.addf %get3A_358, %broadcast_in_dim3A_314 : vector<16xf32>
        %max3A_504 = arith.constant 0.000000e+00 : f32
        %max3A_505 = vector.broadcast %max3A_504 : f32 to vector<16xf32>
        %max3A_506 = arith.maximumf %add3A_503, %max3A_505 : vector<16xf32>
        %add3A_507 = arith.addf %add3A_467, %max3A_506 : vector<16xf32>
        %add3A_508 = arith.addf %get3A_358, %broadcast_in_dim3A_319 : vector<16xf32>
        %max3A_509 = arith.constant 0.000000e+00 : f32
        %max3A_510 = vector.broadcast %max3A_509 : f32 to vector<16xf32>
        %max3A_511 = arith.maximumf %add3A_508, %max3A_510 : vector<16xf32>
        %add3A_512 = arith.addf %add3A_472, %max3A_511 : vector<16xf32>
        %add3A_513 = arith.addf %get3A_358, %broadcast_in_dim3A_324 : vector<16xf32>
        %max3A_514 = arith.constant 0.000000e+00 : f32
        %max3A_515 = vector.broadcast %max3A_514 : f32 to vector<16xf32>
        %max3A_516 = arith.maximumf %add3A_513, %max3A_515 : vector<16xf32>
        %add3A_517 = arith.addf %add3A_477, %max3A_516 : vector<16xf32>
        scf.yield %add3A_502, %add3A_507, %add3A_512, %add3A_517, %add3A_482, %add3A_487, %add3A_492, %add3A_497 : vector<16xf32>, vector<16xf32>, vector<16xf32>, vector<16xf32>, vector<16xf32>, vector<16xf32>, vector<16xf32>, vector<16xf32>
      }
      scf.yield %while3A_335#0, %while3A_335#1, %while3A_335#2, %while3A_335#3, %while3A_335#4, %while3A_335#5, %while3A_335#6, %while3A_335#7 : vector<16xf32>, vector<16xf32>, vector<16xf32>, vector<16xf32>, vector<16xf32>, vector<16xf32>, vector<16xf32>, vector<16xf32>
    }
    %add3A_215 = arith.addf %while3A_214#0, %while3A_214#1 : vector<16xf32>
    %add3A_216 = arith.addf %while3A_214#2, %while3A_214#3 : vector<16xf32>
    %add3A_217 = arith.addf %add3A_215, %add3A_216 : vector<16xf32>
    %add3A_218 = arith.addf %while3A_214#4, %while3A_214#5 : vector<16xf32>
    %add3A_219 = arith.addf %while3A_214#6, %while3A_214#7 : vector<16xf32>
    %add3A_220 = arith.addf %add3A_218, %add3A_219 : vector<16xf32>
    %add3A_221 = arith.addf %add3A_217, %add3A_220 : vector<16xf32>
    %swap3A_222 = arith.constant 0 : index
    %swap3A_223 = tpu.vector_load %arg9[%swap3A_222] {strides = array<i32>} : memref<16xf32, #tpu.memory_space<vmem>>, vector<16xf32>,
    tpu.vector_store %arg9[%swap3A_222], %add3A_221 {strides = array<i32>} : memref<16xf32, #tpu.memory_space<vmem>>, vector<16xf32>,
    "tpu.region"() ({
      %run_scoped3A = tpu.sem_alloc : memref<!tpu.dma_semaphore, #tpu.memory_space<semaphore_mem>>
      %dma_start3A = arith.constant 0 : i32
      %dma_start3A_233 = tpu.memref_slice %arg4[%add3A, %dma_start3A] : memref<32x16xf32, #tpu.memory_space<hbm>> -> memref<1x16xf32, #tpu.memory_space<hbm>>
      %dma_start3A_234 = tpu.memref_squeeze %dma_start3A_233 : memref<1x16xf32, #tpu.memory_space<hbm>> -> memref<16xf32, #tpu.memory_space<hbm>>
      %dma_start3A_235 = arith.constant 0 : i32
      %dma_start3A_236 = tpu.memref_slice %arg4[%add3A, %dma_start3A_235] : memref<32x16xf32, #tpu.memory_space<hbm>> -> memref<1x16xf32, #tpu.memory_space<hbm>>
      %dma_start3A_237 = tpu.memref_squeeze %dma_start3A_236 : memref<1x16xf32, #tpu.memory_space<hbm>> -> memref<16xf32, #tpu.memory_space<hbm>>
      tpu.enqueue_dma source(%arg9 : memref<16xf32, #tpu.memory_space<vmem>>) target(%dma_start3A_237 : memref<16xf32, #tpu.memory_space<hbm>>) target_semaphore(%run_scoped3A : memref<!tpu.dma_semaphore, #tpu.memory_space<semaphore_mem>>)
      %dma_wait3A = arith.constant 0 : i32
      %dma_wait3A_238 = tpu.memref_slice %arg4[%add3A, %dma_wait3A] : memref<32x16xf32, #tpu.memory_space<hbm>> -> memref<1x16xf32, #tpu.memory_space<hbm>>
      %dma_wait3A_239 = tpu.memref_squeeze %dma_wait3A_238 : memref<1x16xf32, #tpu.memory_space<hbm>> -> memref<16xf32, #tpu.memory_space<hbm>>
      %dma_wait3A_240 = arith.constant 0 : i32
      %dma_wait3A_241 = tpu.memref_slice %arg4[%add3A, %dma_wait3A_240] : memref<32x16xf32, #tpu.memory_space<hbm>> -> memref<1x16xf32, #tpu.memory_space<hbm>>
      %dma_wait3A_242 = tpu.memref_squeeze %dma_wait3A_241 : memref<1x16xf32, #tpu.memory_space<hbm>> -> memref<16xf32, #tpu.memory_space<hbm>>
      tpu.wait_dma2 semaphore(%run_scoped3A : memref<!tpu.dma_semaphore, #tpu.memory_space<semaphore_mem>>) src(%arg9 : memref<16xf32, #tpu.memory_space<vmem>>) dst(%dma_wait3A_242 : memref<16xf32, #tpu.memory_space<hbm>>)
      tpu.yield
    }) : () -> ()
    %iota3A = tpu.iota {dimensions = array<i32: 0>} : vector<16xi32>
    %eq3A = arith.constant 0 : i32
    %eq3A_224 = vector.broadcast %eq3A : i32 to vector<16xi32>
    %eq3A_225 = arith.cmpi eq, %iota3A, %eq3A_224 : vector<16xi32>
    %mul3A_226 = arith.muli %while3A_61#1, %while3A_131 : i32
    %jit3A_227 = arith.constant 0 : i32
    %broadcast_in_dim3A_228 = vector.broadcast %mul3A_226 : i32 to vector<16xi32>
    %broadcast_in_dim3A_229 = vector.broadcast %jit3A_227 : i32 to vector<16xi32>
    %select_n3A_230 = arith.select %eq3A_225, %broadcast_in_dim3A_228, %broadcast_in_dim3A_229 : vector<16xi1>, vector<16xi32>
    %swap3A_231 = arith.constant 0 : index
    %swap3A_232 = tpu.vector_load %arg10[%swap3A_231] {strides = array<i32>} : memref<16xi32, #tpu.memory_space<vmem>>, vector<16xi32>,
    tpu.vector_store %arg10[%swap3A_231], %select_n3A_230 {strides = array<i32>} : memref<16xi32, #tpu.memory_space<vmem>>, vector<16xi32>,
    "tpu.region"() ({
      %run_scoped3A = tpu.sem_alloc : memref<!tpu.dma_semaphore, #tpu.memory_space<semaphore_mem>>
      %dma_start3A = arith.constant 0 : i32
      %dma_start3A_233 = tpu.memref_slice %arg5[%add3A, %dma_start3A] : memref<32x16xi32, #tpu.memory_space<hbm>> -> memref<1x16xi32, #tpu.memory_space<hbm>>
      %dma_start3A_234 = tpu.memref_squeeze %dma_start3A_233 : memref<1x16xi32, #tpu.memory_space<hbm>> -> memref<16xi32, #tpu.memory_space<hbm>>
      %dma_start3A_235 = arith.constant 0 : i32
      %dma_start3A_236 = tpu.memref_slice %arg5[%add3A, %dma_start3A_235] : memref<32x16xi32, #tpu.memory_space<hbm>> -> memref<1x16xi32, #tpu.memory_space<hbm>>
      %dma_start3A_237 = tpu.memref_squeeze %dma_start3A_236 : memref<1x16xi32, #tpu.memory_space<hbm>> -> memref<16xi32, #tpu.memory_space<hbm>>
      tpu.enqueue_dma source(%arg10 : memref<16xi32, #tpu.memory_space<vmem>>) target(%dma_start3A_237 : memref<16xi32, #tpu.memory_space<hbm>>) target_semaphore(%run_scoped3A : memref<!tpu.dma_semaphore, #tpu.memory_space<semaphore_mem>>)
      %dma_wait3A = arith.constant 0 : i32
      %dma_wait3A_238 = tpu.memref_slice %arg5[%add3A, %dma_wait3A] : memref<32x16xi32, #tpu.memory_space<hbm>> -> memref<1x16xi32, #tpu.memory_space<hbm>>
      %dma_wait3A_239 = tpu.memref_squeeze %dma_wait3A_238 : memref<1x16xi32, #tpu.memory_space<hbm>> -> memref<16xi32, #tpu.memory_space<hbm>>
      %dma_wait3A_240 = arith.constant 0 : i32
      %dma_wait3A_241 = tpu.memref_slice %arg5[%add3A, %dma_wait3A_240] : memref<32x16xi32, #tpu.memory_space<hbm>> -> memref<1x16xi32, #tpu.memory_space<hbm>>
      %dma_wait3A_242 = tpu.memref_squeeze %dma_wait3A_241 : memref<1x16xi32, #tpu.memory_space<hbm>> -> memref<16xi32, #tpu.memory_space<hbm>>
      tpu.wait_dma2 semaphore(%run_scoped3A : memref<!tpu.dma_semaphore, #tpu.memory_space<semaphore_mem>>) src(%arg10 : memref<16xi32, #tpu.memory_space<vmem>>) dst(%dma_wait3A_242 : memref<16xi32, #tpu.memory_space<hbm>>)
      tpu.yield
    }) : () -> ()
    return
  }
}

module attributes {stable_mosaic.version = 14 : i64} {
  func.func @_tc_bce_body(%arg0: memref<128x128xf32, #tpu.memory_space<vmem>>, %arg1: memref<128x128xi32, #tpu.memory_space<vmem>>, %arg2: memref<1x1xf32, #tpu.memory_space<smem>>) attributes {dimension_semantics = [], scalar_prefetch = 0 : i64, scratch_operands = 0 : i64, tpu.core_type = #tpu.core_type<tc>} {
    %get3A = arith.constant 0 : index
    %get3A_0 = arith.constant 0 : index
    %get3A_1 = vector.load %arg0[%get3A, %get3A_0] : memref<128x128xf32, #tpu.memory_space<vmem>>, vector<128x128xf32>
    %get3A_2 = arith.constant 0 : index
    %get3A_3 = arith.constant 0 : index
    %get3A_4 = vector.load %arg1[%get3A_2, %get3A_3] : memref<128x128xi32, #tpu.memory_space<vmem>>, vector<128x128xi32>
    %convert_element_type3A = arith.sitofp %get3A_4 : vector<128x128xi32> to vector<128x128xf32>
    %max3A = arith.constant 0.000000e+00 : f32
    %max3A_5 = vector.broadcast %max3A : f32 to vector<128x128xf32>
    %max3A_6 = arith.maximumf %get3A_1, %max3A_5 : vector<128x128xf32>
    %mul3A = arith.mulf %get3A_1, %convert_element_type3A : vector<128x128xf32>
    %sub3A = arith.subf %max3A_6, %mul3A : vector<128x128xf32>
    %abs3A = math.absf %get3A_1 : vector<128x128xf32>
    %neg3A = arith.constant 0.000000e+00 : f32
    %neg3A_7 = vector.broadcast %neg3A : f32 to vector<128x128xf32>
    %neg3A_8 = arith.subf %neg3A_7, %abs3A : vector<128x128xf32>
    %exp3A = math.exp %neg3A_8 : vector<128x128xf32>
    %log1p3A = math.log1p %exp3A : vector<128x128xf32>
    %add3A = arith.addf %sub3A, %log1p3A : vector<128x128xf32>
    %reduce_sum3A = vector.shape_cast %add3A : vector<128x128xf32> to vector<1x128x128xf32>
    %reduce_sum3A_9 = arith.constant dense<0.000000e+00> : vector<1xf32>
    %reduce_sum3A_10 = vector.multi_reduction <add>, %reduce_sum3A, %reduce_sum3A_9 [1, 2] : vector<1x128x128xf32> to vector<1xf32>
    %reduce_sum3A_11 = vector.shape_cast %reduce_sum3A_10 : vector<1xf32> to vector<1x1x1xf32>
    %reduce_sum3A_12 = vector.extract %reduce_sum3A_11[0, 0, 0] : f32 from vector<1x1x1xf32>
    %swap3A = arith.constant 0 : index
    %swap3A_13 = arith.constant 0 : index
    %swap3A_14 = memref.load %arg2[%swap3A, %swap3A_13] : memref<1x1xf32, #tpu.memory_space<smem>>
    memref.store %reduce_sum3A_12, %arg2[%swap3A, %swap3A_13] : memref<1x1xf32, #tpu.memory_space<smem>>
    return
  }
}

module attributes {stable_mosaic.version = 14 : i64} {
  func.func @_tc_fin_body(%arg0: memref<1x1xf32, #tpu.memory_space<smem>>, %arg1: memref<4x128xf32, #tpu.memory_space<vmem>>, %arg2: memref<4x128xi32, #tpu.memory_space<vmem>>, %arg3: memref<1x1xf32, #tpu.memory_space<smem>>) attributes {dimension_semantics = [], scalar_prefetch = 0 : i64, scratch_operands = 0 : i64, tpu.core_type = #tpu.core_type<tc>} {
    %get3A = arith.constant 0 : index
    %get3A_0 = arith.constant 0 : index
    %get3A_1 = memref.load %arg0[%get3A, %get3A_0] : memref<1x1xf32, #tpu.memory_space<smem>>
    %div3A = arith.constant 1.638400e+04 : f32
    %div3A_2 = arith.divf %get3A_1, %div3A : f32
    %get3A_3 = arith.constant 0 : index
    %get3A_4 = arith.constant 0 : index
    %get3A_5 = vector.load %arg1[%get3A_3, %get3A_4] : memref<4x128xf32, #tpu.memory_space<vmem>>, vector<4x128xf32>
    %reduce_sum3A = vector.shape_cast %get3A_5 : vector<4x128xf32> to vector<1x4x128xf32>
    %reduce_sum3A_6 = arith.constant dense<0.000000e+00> : vector<1xf32>
    %reduce_sum3A_7 = vector.multi_reduction <add>, %reduce_sum3A, %reduce_sum3A_6 [1, 2] : vector<1x4x128xf32> to vector<1xf32>
    %reduce_sum3A_8 = vector.shape_cast %reduce_sum3A_7 : vector<1xf32> to vector<1x1x1xf32>
    %reduce_sum3A_9 = vector.extract %reduce_sum3A_8[0, 0, 0] : f32 from vector<1x1x1xf32>
    %get3A_10 = arith.constant 0 : index
    %get3A_11 = arith.constant 0 : index
    %get3A_12 = vector.load %arg2[%get3A_10, %get3A_11] : memref<4x128xi32, #tpu.memory_space<vmem>>, vector<4x128xi32>
    %reduce_sum3A_13 = vector.shape_cast %get3A_12 : vector<4x128xi32> to vector<1x4x128xi32>
    %reduce_sum3A_14 = arith.constant dense<0> : vector<1xi32>
    %reduce_sum3A_15 = vector.multi_reduction <add>, %reduce_sum3A_13, %reduce_sum3A_14 [1, 2] : vector<1x4x128xi32> to vector<1xi32>
    %reduce_sum3A_16 = vector.shape_cast %reduce_sum3A_15 : vector<1xi32> to vector<1x1x1xi32>
    %reduce_sum3A_17 = vector.extract %reduce_sum3A_16[0, 0, 0] : i32 from vector<1x1x1xi32>
    %gt3A = arith.constant 0 : i32
    %gt3A_18 = arith.cmpi sgt, %reduce_sum3A_17, %gt3A : i32
    %convert_element_type3A = arith.sitofp %reduce_sum3A_17 : i32 to f32
    %div3A_19 = arith.divf %reduce_sum3A_9, %convert_element_type3A : f32
    %jit3A = arith.constant 0.000000e+00 : f32
    %select_n3A = arith.select %gt3A_18, %div3A_19, %jit3A : f32
    %add3A = arith.addf %div3A_2, %select_n3A : f32
    %swap3A = arith.constant 0 : index
    %swap3A_20 = arith.constant 0 : index
    %swap3A_21 = memref.load %arg3[%swap3A, %swap3A_20] : memref<1x1xf32, #tpu.memory_space<smem>>
    memref.store %add3A, %arg3[%swap3A, %swap3A_20] : memref<1x1xf32, #tpu.memory_space<smem>>
    return
  }
}

</mosaic_0001>

<sc_bundles>
// kernel: kernel.5.cloned.1.call-start
scs
__scs_entry_jumppad:
0x0: {  	(pc) =	sbr.rel $0x88, $3  }
0x1: {  	(tag) =	ssettag $0x0;
	lr =	simm.s32 $0x1  }
0x2: {  	[smem:$0x3F9E] =	sst lr;
	_ =	strace $0xD0000000  }
0x3: {  	_ = 	snop  }
0x4: {  	_ = 	snop  }
0x5: {  	_ = 	snop  }
0x6: {  	_ = 	snop  }
0x7: {  	_ = 	snop  }
__scs_overlays_trampoline_lowered:
0x8: {  	[smem:$0x3FAD] =	sst s0  }
0x9: {  	[smem:$0x3FAE] =	sst s1  }
0xa: {  	[smem:$0x3FAF] =	sst s2  }
0xb: {  	[smem:$0x3FB0] =	sst s3  }
0xc: {  	[smem:$0x3FB1] =	sst s4  }
0xd: {  	[smem:$0x3FB2] =	sst s5  }
0xe: {  	[smem:$0x3FB3] =	sst s6  }
0xf: {  	[smem:$0x3FB4] =	sst s7  }
0x10: {  	[smem:$0x3FB5] =	sst s8  }
0x11: {  	[smem:$0x3FB6] =	sst s9;
	s0 =	simm.s32 @!p0 $0x0  }
0x12: {  	s1 =	sld [smem:$0x3F9C];
	s0 =	simm.s32 @p0 $0x1  }
0x13: {  	[smem:$0x3FB7] =	sst s0;
	s0 =	simm.s32 @!p1 $0x0  }
0x14: {  	s2 =	sld [smem:$0x3F9B];
	s0 =	simm.s32 @p1 $0x1  }
0x15: {  	[smem:$0x3FB8] =	sst s0;
	s0 =	simm.s32 @!p2 $0x0  }
0x16: {  	s3 =	sld [smem:$0x3FDB];
	s0 =	simm.s32 @p2 $0x1  }
0x17: {  	s4 =	simm.s32 $0x1BF5;
	[smem:$0x3FBA] =	sst s0  }
0x18: {  	s0 =	sld [smem:$0x3F9D];
	_ =	swait.ge [sflag:s4], $0x0  }
0x19: {  	s7 =	sld [smem:$0x3F9E]  }
0x1a: {  	s8 =	sadd.s32 $0xFFFFE003, lr  }
0x1b: {  	s9 =	sadd.s32 $0xFFFFFEF7, lr;
	s5 =	simm.s32 $0xFFFFFFFF;
	p2 =	slt.u32 s8, $0xFFFFF086  }
0x1c: {  	p1 =	slt.u32 s9, $0xF7A;
	s5 =	simm.s32 @!p2 $0x0  }
0x1d: {  	s5 =	simm.s32 @p1 $0x1;
	p0 =	seq.s32 s7, s2  }
0x1e: {  	s7 =	smul.u32 @!p0 $0xF7A, s2;
	p2 =	seq.s32 @!p0 s5, $0x0  }
0x1f: {  	s9 =	smul.u32 $0xF7A, s1;
	s8 =	simm.s32 @!p0 $0x1BF5;
	p2 =	por !p2, p0  }
0x20: {  	[sflag:s8] =	ssyncset.s32 @!p0 $0xFFFFF086;
	s6 =	sadd.s32 @!p0 s3, s7;
	s7 =	simm.s32 @!p0 $0x108  }
0x21: {  	s3 =	sadd.s32 s3, s9;
	s6 =	sadd.s32 @!p0 $0x88, s6;
	s7 =	simm.s32 @p2 $0x1082  }
0x22: {  	[simem:s7], [sflag:s8] =	dma.local @!p0 [hbm:s6], $0xF7A  }
0x23: {  	s9 =	sor.u32 $0xD0000000, s2;
	s6 =	simm.s32 $0x108;
	_ =	swait.ge @!p0 [sflag:s8], $0x0  }
0x24: {  	s3 =	sadd.s32 $0x88, s3;
	s6 =	simm.s32 @!p1 $0x1082;
	[sflag:s4] =	ssyncset.s32 $0xFFFFF086  }
0x25: {  	[simem:s6], [sflag:s4] =	dma.local [hbm:s3], $0xF7A  }
0x26: {  	[smem:$0x3F9E] =	sst s1;
	(tag) =	ssettag s2;
	_ =	strace s9  }
0x27: {  	s1 =	sld [smem:$0x3FAE]  }
0x28: {  	s2 =	sld [smem:$0x3FAF]  }
0x29: {  	s4 =	sld [smem:$0x3FB1]  }
0x2a: {  	p0 =	seq.s32 s5, $0x0;
	s5 =	sld [smem:$0x3FB2]  }
0x2b: {  	s6 =	sld [smem:$0x3FB3]  }
0x2c: {  	s7 =	sld [smem:$0x3FB4]  }
0x2d: {  	s3 =	simm.s32 $0x108;
	s8 =	sld [smem:$0x3FB5]  }
0x2e: {  	s3 =	simm.s32 @!p0 $0x1082;
	s9 =	sld [smem:$0x3FB6]  }
0x2f: {  	lr =	sadd.s32 s0, s3;
	s0 =	sld [smem:$0x3FAD]  }
0x30: {  	s3 =	sld [smem:$0x3FB0]  }
0x31: {  	[smem:$0x3FB9] =	sst s10  }
0x32: {  	s10 =	sld [smem:$0x3FB7];
	_ =	sdelay $0x3  }
0x33: {  	p0 =	seq.s32 s10, $0x1;
	s10 =	sld [smem:$0x3FB9];
	_ =	sdelay $0x3  }
0x34: {  	[smem:$0x3FB9] =	sst s10  }
0x35: {  	s10 =	sld [smem:$0x3FB8];
	_ =	sdelay $0x3  }
0x36: {  	p1 =	seq.s32 s10, $0x1;
	s10 =	sld [smem:$0x3FB9];
	_ =	sdelay $0x3  }
0x37: {  	[smem:$0x3FB9] =	sst s10  }
0x38: {  	s10 =	sld [smem:$0x3FBA]  }
0x39: {  	_ = 	snop;
	(pc) =	sbr.ind lr, $3  }
0x3a: {  	_ = 	snop  }
0x3b: {  	_ = 	snop  }
0x3c: {  	p2 =	seq.s32 s10, $0x1;
	s10 =	sld [smem:$0x3FB9]  }
0x3d: {  	_ =	shalt  }
0x3e: {  	_ =	shalt  }
0x3f: {  	_ =	shalt  }
0x40: {  	_ =	shalt  }
0x41: {  	_ =	shalt  }
0x42: {  	_ =	shalt  }
0x43: {  	_ =	shalt  }
0x44: {  	_ =	shalt  }
0x45: {  	_ =	shalt  }
0x46: {  	_ =	shalt  }
0x47: {  	_ =	shalt  }
0x48: {  	_ =	shalt  }
0x49: {  	_ =	shalt  }
0x4a: {  	_ =	shalt  }
0x4b: {  	_ =	shalt  }
0x4c: {  	_ =	shalt  }
0x4d: {  	_ =	shalt  }
0x4e: {  	_ =	shalt  }
0x4f: {  	_ =	shalt  }
0x50: {  	_ =	shalt  }
0x51: {  	_ =	shalt  }
0x52: {  	_ =	shalt  }
0x53: {  	_ =	shalt  }
0x54: {  	_ =	shalt  }
0x55: {  	_ =	shalt  }
0x56: {  	_ =	shalt  }
0x57: {  	_ =	shalt  }
0x58: {  	_ =	shalt  }
0x59: {  	_ =	shalt  }
0x5a: {  	_ =	shalt  }
0x5b: {  	_ =	shalt  }
0x5c: {  	_ =	shalt  }
0x5d: {  	_ =	shalt  }
0x5e: {  	_ =	shalt  }
0x5f: {  	_ =	shalt  }
0x60: {  	_ =	shalt  }
0x61: {  	_ =	shalt  }
0x62: {  	_ =	shalt  }
0x63: {  	_ =	shalt  }
0x64: {  	_ =	shalt  }
0x65: {  	_ =	shalt  }
0x66: {  	_ =	shalt  }
0x67: {  	_ =	shalt  }
0x68: {  	_ =	shalt  }
0x69: {  	_ =	shalt  }
0x6a: {  	_ =	shalt  }
0x6b: {  	_ =	shalt  }
0x6c: {  	_ =	shalt  }
0x6d: {  	_ =	shalt  }
0x6e: {  	_ =	shalt  }
0x6f: {  	_ =	shalt  }
0x70: {  	_ =	shalt  }
0x71: {  	_ =	shalt  }
0x72: {  	_ =	shalt  }
0x73: {  	_ =	shalt  }
0x74: {  	_ =	shalt  }
0x75: {  	_ =	shalt  }
0x76: {  	_ =	shalt  }
0x77: {  	_ =	shalt  }
0x78: {  	_ =	shalt  }
0x79: {  	_ =	shalt  }
0x7a: {  	_ =	shalt  }
0x7b: {  	_ =	shalt  }
0x7c: {  	_ =	shalt  }
0x7d: {  	_ =	shalt  }
0x7e: {  	_ =	shalt  }
0x7f: {  	_ =	shalt  }
0x80: {  	_ =	shalt  }
0x81: {  	_ =	shalt  }
0x82: {  	_ =	shalt  }
0x83: {  	_ =	shalt  }
0x84: {  	_ =	shalt  }
0x85: {  	_ =	shalt  }
0x86: {  	_ =	shalt  }
0x87: {  	_ =	shalt  }
.Lfunc_end0:
.L_simem_size_0:
called_computation_lowered:
.L_overlay_start_0:
0x88: {  	s2 =	sld [smem:$0x3FD9]  }
0x89: {  	s3 =	sld [smem:$0x3FFE];
	_ =	sdelay $0x1  }
0x8a: {  	s1 =	srdreg.scid  }
0x8b: {  	s0 =	sand.u32 $0x1, s1  }
0x8c: {  	s17 =	sshll.u32 s0, $0xA;
	s2 =	sadd.s32 s3, s2  }
0x8d: {  	s2 =	sadd.s32 s2, s17  }
0x8e: {  	[smem:$0x3FC5] =	sst s2  }
0x8f: {  	_ = 	snop  }
0x90: {  	s2 =	sld [smem:$0x3FC9];
	(tm) =	ssettm $0x1  }
0x91: {  	s18 =	sld [smem:$0x3FFB];
	_ =	sdelay $0x3  }
0x92: {  	_ =	strace s18  }
0x93: {  	s3 =	sld [smem:$0x3FFC];
	_ =	sdelay $0x3  }
0x94: {  	_ =	strace s3  }
0x95: {  	s3 =	sld [smem:$0x3FFD];
	_ =	sdelay $0x3  }
0x96: {  	_ =	strace s3  }
0x97: {  	_ =	strace $0x8FFFFFFF  }
0x98: {  	s19 =	sld [smem:$0x3FDB];
	_ =	sdelay $0x1  }
0x99: {  	s4 =	simm.s32 $_scs_section_size  }
0x9a: {  	s5 =	simm.s32 $_size__tile_overlayer_lowered;
	s6 =	simm.s32 $_tile_overlayer_lowered  }
0x9b: {  	s22 =	simm.s32 $0x1BFF;
	s21 =	sshll.u32 s6, $0x1;
	s3 =	sadd.s32 s4, s19  }
0x9c: {  	s7 =	simm.s32 $0x0;
	s20 =	sshll.u32 s5, $0x1;
	s5 =	sadd.s32 s21, s3  }
0x9d: {  	[timem:s7], [sflag:s22] =	dma.local [hbm:s5], s20  }
0x9e: {  	_ =	swait.ge [sflag:s22], s20  }
0x9f: {  	s4 =	ssub.s32 $0x0, s20;
	[sflag:s22] =	ssyncset.done $0x0  }
0xa0: {  	[sflag:s22] =	ssyncadd.s32 s4;
	_ =	sdelay $0x1  }
0xa1: {  	s23 =	simm.s32 $0x1B8B  }
0xa2: {  	_ =	swait.ge [sflag:s23], $0x1  }
0xa3: {  	[sflag:s23] =	ssyncset.done $0x0  }
0xa4: {  	s25 =	simm.s32 $0x1B8E;
	s24 =	sld [smem:$0x3FFE];
	[sflag:s23] =	ssyncadd.s32 $0xFFFFFFFF  }
0xa5: {  	s26 =	simm.s32 $execute0_lowered;
	[smem:$0x3FD2] =	sst s25  }
0xa6: {  	s5 =	sshll.u32 s26, $0x1;
	_ =	strace $0x80000046;
	[dreg:$0x1] =	wrdreg $0xFFFFFFFF  }
0xa7: {  	s28 =	simm.s32 $_size_execute0_lowered;
	s3 =	sadd.s32 s3, s5;
	[dreg:$0x0] =	wrdreg $0x0  }
0xa8: {  	s5 =	sshll.u32 s28, $0x1;
	[dreg:$0x2] =	wrdreg s3  }
0xa9: {  	[dreg:$0x3] =	wrdreg s5  }
0xaa: {  	[dreg:$0x4] =	wrdreg $0xC0  }
0xab: {  	_ =	task [dreg:s7], $0x5FFFF  }
0xac: {  	[dreg:$0x1] =	wrdreg $0xFFFFFFFF  }
0xad: {  	[dreg:$0x0] =	wrdreg $0x60  }
0xae: {  	[dreg:$0x2] =	wrdreg s2  }
0xaf: {  	[dreg:$0x3] =	wrdreg s24  }
0xb0: {  	[dreg:$0x4] =	wrdreg $0x9  }
0xb1: {  	_ =	task.clear_ibuf [dreg:s7], $0x5FFFF;
	_ =	strace $0x90000046  }
0xb2: {  	s29 =	simm.s32 $0x9;
	_ =	strace $0x80000048  }
0xb3: {  	_ =	swait.ge [sflag:s29], $0x1  }
0xb4: {  	[sflag:s29] =	ssyncadd.s32 $0xFFFFFFFF  }
0xb5: {  	_ =	strace $0x90000048  }
0xb6: {  	_ =	sfence  }
0xb7: {  	s30 =	sld [smem:$0x0];
	_ =	sdelay $0x2  }
0xb8: {  	s31 =	sshll.u32 s1, $0xD;
	s1 =	sshrl.u32 s1, $0x2  }
0xb9: {  	s3 =	sand.u32 $0x4000, s31;
	s1 =	sadd.s32 s1, s30  }
0xba: {  	s0 =	sor.u32 s3, s0;
	s1 =	sshll.u32 s1, $0x11  }
0xbb: {  	s0 =	sor.u32 s1, s0  }
0xbc: {  	s0 =	sadd.s32 $0x8F2B, s0  }
0xbd: {  	[sflag:s0] =	ssyncadd.remote.s32 $0x1  }
0xbe: {  	_ =	sfence.sel $0xFFFF  }
0xbf: {  	[dreg:$0x0] =	wrdreg $0xFFFFFFFF;
	(pc) =	sbr.abs _section_cstart, $3  }
0xc0: {  	[dreg:$0x1] =	wrdreg $0xFFFFFFFF  }
0xc1: {  	_ =	task.clear_ibuf [dreg:s7], $0x2FFFF;
	_ =	strace $0x9FFFFFFF  }
0xc2: {  	(tm) =	ssettm $0x7FFFFFFF  }
0xc3: {  	_ =	shalt  }
tec
execute0_lowered:
.L_overlay_start_1:
0x0: {  	(tag) =	ssettag $0x1  }
0x1: {  	s0 =	rddreg [dreg:$0x1]  }
0x2: {  	s1 =	srdreg.scid;
	s8 =	stileid.u32  }
0x3: {  	s3 =	simm.s32 $0x0;
	s12 =	simm.s32 $0x8000;
	s15 =	simm.s32 $0x0  }
0x4: {  	s1 =	sand.u32 $0x1, s1;
	s2 =	sshll.u32 s8, $0x1;
	[smem:$0x7FF] =	sst s3  }
0x5: {  	s29 =	sadd.s32 $0xE00, s0;
	s10 =	sshllo.u32 s8, $0x1;
	s4 =	sor.u32 s1, s2  }
0x6: {  	s5 =	ssub.s32 $0x2, s1;
	_ =	strace $0x80000047;
	[dreg:$0x3] =	wrdreg s29  }
.Ltmp0:
0x7: {  	v1 =	vmov s10;
	s10 =	simm.s32 $0x1;
	s6 =	sshll.u32 s4, $0x4;
	(pc) =	sbr.rel .LBB2_1-.Ltmp0, $4  }
0x8: {  	p0 =	seq.s32 s1, $0x0;
	s0 =	sadd.s32 s6, s0;
	s6 =	sshll.u32 s1, $0xF  }
0x9: {  	v3 =	vimm.f32 $-1.000000020e+30;
	s7 =	sshrl.u32 s5, $0x1;
	s4 =	simm.s32 $0x8010;
	s30 =	sshrl.u32 s6, $0x2  }
0xa: {  	v2 =	vimm.s32 $0x0;
	v4 =	vimm.f32 $1.000000020e+30;
	vm0 =	vcmask $0x300;
	s9 =	ssub.s32 s5, s7;
	s5 =	sshll.u32 s1, $0x8;
	s31 =	sor.u32 $0x4000, s30  }
0xb: {  	v0 =	vmov s2;
	s7 =	sadd.s32 $0x1600, s0;
	s8 =	sadd.s32 $0x1800, s0;
	s9 =	smax.u32 s9, $0x1;
	v5 =	vmov s30;
	v6 =	vmov s31  }
.LBB2_22:
0xc: {  	v7 =	vadd.f32 v7, v35;
	v10 =	vadd.f32 v32, v11  }
0xd: {  	v9 =	vadd.f32 v9, v34;
	v8 =	vadd.f32 v29, v8;
	_ =	sdelay $0x1  }
0xe: {  	v7 =	vadd.f32 v10, v7;
	v8 =	vadd.f32 v8, v9;
	_ =	sdelay $0x1  }
0xf: {  	v29 =	vadd.f32 v8, v7  }
.LBB2_23:
0x10: {  	_ = 	snop  }
0x11: {  	s0 =	simm.s32 $0xE080;
	s30 =	smul.u32 s16, s17;
	[tilespmem:$0xE080] =	vst v29  }
0x12: {  	[hbm4b:s7+s3] =	stream.linear.scatter [tilespmem:s0], [sflag:$0x1], $0x80, $0x38;
	[tilespmem:$0xE180] =	vst v63  }
0x13: {  	_ =	swait.ge [sflag:s10], $0x80  }
0x14: {  	s15 =	sadd.s32 $0x1, s15;
	v7 =	vmov s30;
	[sflag:s10] =	ssyncset.done $0x0  }
0x15: {  	p1 =	sne.s32 s15, s9;
	v7 =	vnsel vm0, $0x0, v7;
	[sflag:s10] =	ssyncadd.s32 $0xFFFFFF80  }
.Ltmp1:
0x16: {  	s31 =	simm.s32 $0xE100;
	[tilespmem:$0xE100] =	vst v7;
	(pc) =	sbr.rel @!p1 .LBB2_24-.Ltmp1, $4  }
0x17: {  	[hbm4b:s8+s3] =	stream.linear.scatter [tilespmem:s31], [sflag:$0x1], $0x80, $0x38;
	[tilespmem:$0xE180] =	vst v63  }
0x18: {  	_ =	swait.ge [sflag:s10], $0x80  }
0x19: {  	[sflag:s10] =	ssyncset.done $0x0  }
0x1a: {  	[sflag:s10] =	ssyncadd.s32 $0xFFFFFF80  }
.LBB2_1:
0x1b: {  	s0 =	rddreg [dreg:$0x0]  }
0x1c: {  	[tilespmem:s3], [sflag:$0x1] =	stream.linear.gather [hbm4b:s0+s3], $0x4000, $0x38;
	[tilespmem:$0xE180] =	vst v63  }
0x1d: {  	_ =	swait.ge [sflag:s10], $0x4000  }
0x1e: {  	[sflag:s10] =	ssyncset.done $0x0  }
0x1f: {  	s1 =	simm.s32 $0x4000;
	s26 =	rddreg [dreg:$0x3];
	[sflag:s10] =	ssyncadd.s32 $0xFFFFC000  }
0x20: {  	[tilespmem:s1], [sflag:$0x1] =	stream.linear.gather [hbm4b:s26+s3], $0x4000, $0x38;
	[tilespmem:$0xE180] =	vst v63  }
0x21: {  	_ =	swait.ge [sflag:s10], $0x4000  }
0x22: {  	[sflag:s10] =	ssyncset.done $0x0  }
0x23: {  	s28 =	simm.s32 $0x0;
	[sflag:s10] =	ssyncadd.s32 $0xFFFFC000  }
0x24: {  	v7 =	vld.idx.msk [tilespmem:v6+s28+$0x0 ss:$0x1], $0xffff;
	_ =	sdelay $0x4  }
0x25: {  	vm1 =	veq.s32 v7, v0  }
0x26: {  	vm2 =	veq.s32 v7, v1;
	v7 =	vsel vm1, $0x1, v2  }
0x27: {  	v8 =	vsel vm2, $0x1, v2;
	(xrf0) =	vadd.scan.msk.s32 $0xffff, v7  }
0x28: {  	(xrf0) =	vadd.scan.msk.s32 $0xffff, v8;
	_ =	sdelay $0x4  }
0x29: {  	v7, _, _ =	vpop (xrf0)  }
0x2a: {  	s29 =	simm.s32 $0xFFFFFFFF;
	s2 =	simm.s32 $0x403F;
	v8, _, _ =	vpop (xrf0)  }
0x2b: {  	vm2 =	vmor vm1, vm2;
	v9 =	vadd.s32 s29, v7;
	v10 =	vadd.s32 s2, v8  }
0x2c: {  	v9 =	vsel vm1, v9, v10;
	v10 =	vld.idx.msk [tilespmem:v5+s28+$0x0 ss:$0x1], $0xffff  }
0x2d: {  	(v2sf) =	vpush v7, $0xF  }
0x2e: {  	(v2sf) =	vpush v8, $0xF;
	_ =	sdelay $0x2  }
0x2f: {  	[tilespmem:v9+s12+$0x0] =	vst.idx.msk vm2, v10  }
0x30: {  	v7 =	vld.idx.msk [tilespmem:v6+s28+$0x10 ss:$0x1], $0xffff;
	_ =	sdelay $0x4  }
0x31: {  	vm1 =	veq.s32 v7, v0  }
0x32: {  	vm2 =	veq.s32 v7, v1;
	v8 =	vsel vm1, $0x1, v2  }
0x33: {  	(xrf0) =	vadd.scan.msk.s32 $0xffff, v8;
	v8 =	vsel vm2, $0x1, v2  }
0x34: {  	(xrf0) =	vadd.scan.msk.s32 $0xffff, v8;
	_ =	sdelay $0x1  }
0x35: {  	s30 =	spop (v2sf)  }
0x36: {  	s31 =	spop (v2sf)  }
0x37: {  	s16 =	simm.s32 $0x80;
	s18 =	sadd.s32 $0x0, s31  }
0x38: {  	s17 =	simm.s32 $0x100;
	v7 =	vld.idx.msk [tilespmem:v5+s28+$0x10 ss:$0x1], $0xffff;
	s19 =	sadd.s32 $0x0, s30;
	s20 =	sadd.s32 $0x403F, s18;
	v8, _, _ =	vpop (xrf0)  }
.LBB2_2:
0x39: {  	p1 =	seq.s32 s17, $0x7F80;
	s0 =	sadd.s32 $0xFFFFFFFF, s19;
	v9, _, _ =	vpop (xrf0);
	(v2sf) =	vpush v8, $0xF  }
0x3a: {  	vm2 =	vmor vm1, vm2;
	v8 =	vadd.s32 s0, v8;
	v10 =	vadd.s32 s20, v9  }
0x3b: {  	v8 =	vsel vm1, v8, v10;
	(v2sf) =	vpush v9, $0xF;
	_ =	sdelay $0x4  }
0x3c: {  	s0 =	sshra.s32 s16, $0x2;
	s16 =	smov.u32 s17;
	[tilespmem:v8+s12+$0x0] =	vst.idx.msk vm2, v7  }
0x3d: {  	v7 =	vld.idx.msk [tilespmem:v6+s0+$0x0 ss:$0x1], $0xffff  }
0x3e: {  	v8 =	vld.idx.msk [tilespmem:v5+s0+$0x0 ss:$0x1], $0xffff;
	_ =	sdelay $0x4  }
0x3f: {  	vm1 =	veq.s32 v7, v0  }
0x40: {  	vm2 =	veq.s32 v7, v1;
	v7 =	vsel vm1, $0x1, v2;
	s1 =	spop (v2sf)  }
0x41: {  	v9 =	vsel vm2, $0x1, v2;
	(xrf0) =	vadd.scan.msk.s32 $0xffff, v7;
	s1 =	sadd.s32 s19, s1  }
0x42: {  	(xrf0) =	vadd.scan.msk.s32 $0xffff, v9;
	s2 =	spop (v2sf)  }
0x43: {  	s2 =	sadd.s32 s18, s2;
	_ =	sdelay $0x3  }
0x44: {  	v7, _, _ =	vpop (xrf0)  }
0x45: {  	s11 =	sadd.s32 $0xFFFFFFFF, s1;
	s13 =	sadd.s32 $0x403F, s2;
	v9, _, _ =	vpop (xrf0);
	(v2sf) =	vpush v7, $0xF  }
0x46: {  	vm2 =	vmor vm1, vm2;
	v7 =	vadd.s32 s11, v7;
	v10 =	vadd.s32 s13, v9  }
0x47: {  	v7 =	vsel vm1, v7, v10;
	(v2sf) =	vpush v9, $0xF;
	_ =	sdelay $0x4  }
0x48: {  	[tilespmem:v7+s12+$0x0] =	vst.idx.msk vm2, v8  }
0x49: {  	v8 =	vld.idx.msk [tilespmem:v6+s0+$0x10 ss:$0x1], $0xffff  }
0x4a: {  	v7 =	vld.idx.msk [tilespmem:v5+s0+$0x10 ss:$0x1], $0xffff;
	_ =	sdelay $0x4  }
0x4b: {  	vm1 =	veq.s32 v8, v0  }
0x4c: {  	vm2 =	veq.s32 v8, v1;
	v8 =	vsel vm1, $0x1, v2;
	s0 =	spop (v2sf)  }
0x4d: {  	v9 =	vsel vm2, $0x1, v2;
	(xrf0) =	vadd.scan.msk.s32 $0xffff, v8  }
0x4e: {  	s11 =	spop (v2sf);
	(xrf0) =	vadd.scan.msk.s32 $0xffff, v9  }
.Ltmp2:
0x4f: {  	s18 =	sadd.s32 s2, s11;
	(pc) =	sbr.rel @!p1 .LBB2_2-.Ltmp2, $2  }
0x50: {  	s20 =	sadd.s32 $0x403F, s18;
	_ =	sdelay $0x2  }
0x51: {  	s17 =	sadd.s32 $0x80, s17;
	s19 =	sadd.s32 s1, s0;
	v8, _, _ =	vpop (xrf0)  }
0x52: {  	s0 =	sadd.s32 $0xFFFFFFFF, s19;
	v9, _, _ =	vpop (xrf0)  }
0x53: {  	vm2 =	vmor vm1, vm2;
	v10 =	vadd.s32 s0, v8;
	v11 =	vadd.s32 s20, v9  }
0x54: {  	v10 =	vsel vm1, v10, v11;
	_ =	sdelay $0x1  }
0x55: {  	(v2sf) =	vpush v8, $0xF  }
0x56: {  	(v2sf) =	vpush v9, $0xF;
	_ =	sdelay $0x1  }
0x57: {  	s24 =	sshra.s32 s16, $0x2;
	[tilespmem:v10+s12+$0x0] =	vst.idx.msk vm2, v7  }
0x58: {  	v7 =	vld.idx.msk [tilespmem:v6+s24+$0x0 ss:$0x1], $0xffff;
	_ =	sdelay $0x4  }
0x59: {  	vm1 =	veq.s32 v7, v0  }
0x5a: {  	vm2 =	veq.s32 v7, v1;
	v7 =	vsel vm1, $0x1, v2  }
0x5b: {  	v8 =	vsel vm2, $0x1, v2;
	(xrf0) =	vadd.scan.msk.s32 $0xffff, v7  }
0x5c: {  	(xrf0) =	vadd.scan.msk.s32 $0xffff, v8;
	_ =	sdelay $0x2  }
0x5d: {  	s1 =	spop (v2sf)  }
0x5e: {  	s2 =	spop (v2sf)  }
0x5f: {  	s1 =	sadd.s32 s19, s1;
	s2 =	sadd.s32 s18, s2;
	v7, _, _ =	vpop (xrf0)  }
0x60: {  	s11 =	sadd.s32 $0xFFFFFFFF, s1;
	s13 =	sadd.s32 $0x403F, s2;
	v8, _, _ =	vpop (xrf0)  }
0x61: {  	vm2 =	vmor vm1, vm2;
	v60 =	vadd.s32 s11, v7;
	v61 =	vadd.s32 s13, v8  }
0x62: {  	v62 =	vld.idx.msk [tilespmem:v5+s24+$0x0 ss:$0x1], $0xffff;
	v9 =	vsel vm1, v60, v61;
	_ =	sdelay $0x4  }
0x63: {  	[tilespmem:v9+s12+$0x0] =	vst.idx.msk vm2, v62  }
0x64: {  	v9 =	vld.idx.msk [tilespmem:v6+s24+$0x10 ss:$0x1], $0xffff;
	_ =	sdelay $0x4  }
0x65: {  	vm1 =	veq.s32 v9, v0  }
0x66: {  	(v2sf) =	vpush v7, $0xF;
	vm2 =	veq.s32 v9, v1;
	v7 =	vsel vm1, $0x1, v2  }
0x67: {  	(v2sf) =	vpush v8, $0xF;
	v8 =	vsel vm2, $0x1, v2;
	(xrf0) =	vadd.scan.msk.s32 $0xffff, v7  }
0x68: {  	(xrf0) =	vadd.scan.msk.s32 $0xffff, v8;
	_ =	sdelay $0x4  }
0x69: {  	v7, _, _ =	vpop (xrf0)  }
0x6a: {  	v8, _, _ =	vpop (xrf0);
	(v2sf) =	vpush v7, $0xF  }
0x6b: {  	(v2sf) =	vpush v8, $0xF;
	_ =	sdelay $0x5  }
0x6c: {  	s25 =	spop (v2sf)  }
0x6d: {  	s26 =	spop (v2sf)  }
0x6e: {  	s1 =	sadd.s32 s1, s25;
	s2 =	sadd.s32 s2, s26  }
0x6f: {  	s29 =	sadd.s32 $0xFFFFFFFF, s1;
	s28 =	sadd.s32 $0x403F, s2  }
0x70: {  	vm2 =	vmor vm1, vm2;
	v7 =	vadd.s32 s29, v7;
	v8 =	vadd.s32 s28, v8  }
0x71: {  	v63 =	vld.idx.msk [tilespmem:v5+s24+$0x10 ss:$0x1], $0xffff;
	v7 =	vsel vm1, v7, v8  }
.Ltmp3:
0x72: {  	_ = 	snop;
	(pc) =	sbr.rel @!p0 .LBB2_4-.Ltmp3, $4  }
0x73: {  	_ = 	snop  }
0x74: {  	s30 =	spop (v2sf)  }
0x75: {  	s31 =	spop (v2sf)  }
0x76: {  	[tilespmem:v7+s12+$0x0] =	vst.idx.msk vm2, v63;
	s17 =	sadd.s32 s1, s30;
	s16 =	sadd.s32 s2, s31  }
0x77: {  	s18 =	sshra.s32 s6, $0x2  }
0x78: {  	v7 =	vld [tilespmem:s18+$0x6000];
	_ =	sdelay $0x1  }
0x79: {  	p2 =	sne.s32 s6, $0x7F80  }
.Ltmp4:
0x7a: {  	_ = 	snop;
	(pc) =	sbr.rel @!p2 .LBB2_11-.Ltmp4, $4  }
0x7b: {  	_ = 	snop  }
0x7c: {  	vm1 =	veq.s32 v7, v0  }
0x7d: {  	v7 =	vsel vm1, $0x1, v2  }
0x7e: {  	s19 =	sadd.s32 $0x80, s6;
	p1 =	por $0x0, $0x0;
	(xrf0) =	vadd.scan.msk.s32 $0xffff, v7  }
0x7f: {  	_ =	sdelay $0x4  }
0x80: {  	s0 =	sadd.s32 $0xFFFFFFFF, s17;
	v7, _, _ =	vpop (xrf0)  }
0x81: {  	v8 =	vld [tilespmem:s18+$0x2000];
	v9 =	vadd.s32 s0, v7;
	_ =	sdelay $0x2  }
0x82: {  	(v2sf) =	vpush v7, $0xF;
	_ =	sdelay $0x1  }
0x83: {  	[tilespmem:v9+s12+$0x0] =	vst.idx.msk vm1, v8  }
0x84: {  	v7 =	vld [tilespmem:s18+$0x6010];
	_ =	sdelay $0x4  }
0x85: {  	vm1 =	veq.s32 v7, v0  }
0x86: {  	v7 =	vsel vm1, $0x1, v2  }
0x87: {  	(xrf0) =	vadd.scan.msk.s32 $0xffff, v7;
	_ =	sdelay $0x4  }
0x88: {  	s31 =	spop (v2sf)  }
0x89: {  	s20 =	sadd.s32 s17, s31;
	v7, _, _ =	vpop (xrf0)  }
0x8a: {  	s0 =	sadd.s32 $0xFFFFFFFF, s20;
	(v2sf) =	vpush v7, $0xF  }
0x8b: {  	v8 =	vld [tilespmem:s18+$0x2010];
	v7 =	vadd.s32 s0, v7;
	_ =	sdelay $0x4  }
0x8c: {  	s18 =	sshra.s32 s19, $0x2;
	[tilespmem:v7+s12+$0x0] =	vst.idx.msk vm1, v8  }
0x8d: {  	v7 =	vld [tilespmem:s18+$0x6000];
	_ =	sdelay $0x2  }
0x8e: {  	p2 =	sne.s32 s19, $0x7F80  }
.Ltmp5:
0x8f: {  	_ = 	snop;
	(pc) =	sbr.rel @!p2 .LBB2_14-.Ltmp5, $4  }
0x90: {  	vm1 =	veq.s32 v7, v0  }
0x91: {  	v7 =	vsel vm1, $0x1, v2  }
0x92: {  	(xrf0) =	vadd.scan.msk.s32 $0xffff, v7  }
0x93: {  	p1 =	por $0x1, $0x1;
	s19 =	sadd.s32 $0x80, s19;
	s0 =	spop (v2sf)  }
.LBB2_13:
0x94: {  	p2 =	sne.s32 s19, $0x7F80  }
0x95: {  	s0 =	sadd.s32 s20, s0;
	s1 =	smov.u32 s19;
	s19 =	sadd.s32 $0x80, s19  }
0x96: {  	_ =	sdelay $0x1  }
0x97: {  	s2 =	sadd.s32 $0xFFFFFFFF, s0;
	v7, _, _ =	vpop (xrf0)  }
0x98: {  	v8 =	vld [tilespmem:s18+$0x2000];
	v9 =	vadd.s32 s2, v7;
	(v2sf) =	vpush v7, $0xF;
	_ =	sdelay $0x4  }
0x99: {  	[tilespmem:v9+s12+$0x0] =	vst.idx.msk vm1, v8  }
0x9a: {  	v7 =	vld [tilespmem:s18+$0x6010];
	_ =	sdelay $0x4  }
0x9b: {  	vm1 =	veq.s32 v7, v0  }
0x9c: {  	v7 =	vsel vm1, $0x1, v2  }
0x9d: {  	(xrf0) =	vadd.scan.msk.s32 $0xffff, v7;
	_ =	sdelay $0x1  }
0x9e: {  	s2 =	spop (v2sf);
	_ =	sdelay $0x2  }
0x9f: {  	s20 =	sadd.s32 s0, s2  }
0xa0: {  	s0 =	sadd.s32 $0xFFFFFFFF, s20;
	v7, _, _ =	vpop (xrf0)  }
0xa1: {  	v8 =	vld [tilespmem:s18+$0x2010];
	v9 =	vadd.s32 s0, v7;
	(v2sf) =	vpush v7, $0xF;
	_ =	sdelay $0x4  }
0xa2: {  	s18 =	sshra.s32 s1, $0x2;
	[tilespmem:v9+s12+$0x0] =	vst.idx.msk vm1, v8  }
0xa3: {  	v7 =	vld [tilespmem:s18+$0x6000];
	_ =	sdelay $0x4  }
.Ltmp6:
0xa4: {  	vm1 =	veq.s32 v7, v0;
	(pc) =	sbr.rel @p2 .LBB2_13-.Ltmp6, $3  }
0xa5: {  	v7 =	vsel vm1, $0x1, v2  }
0xa6: {  	(xrf0) =	vadd.scan.msk.s32 $0xffff, v7;
	_ =	sdelay $0x1  }
0xa7: {  	s0 =	spop (v2sf)  }
.LBB2_14:
0xa8: {  	_ =	sdelay $0x1  }
0xa9: {  	s0 =	sadd.s32 @p1 s20, s0  }
0xaa: {  	s17 =	smov.u32 @p1 s0  }
0xab: {  	s0 =	sadd.s32 $0xFFFFFFFF, s17;
	v7, _, _ =	vpop (xrf0)  }
0xac: {  	v8 =	vld [tilespmem:s18+$0x2000];
	v9 =	vadd.s32 s0, v7;
	_ =	sdelay $0x4  }
0xad: {  	[tilespmem:v9+s12+$0x0] =	vst.idx.msk vm1, v8  }
0xae: {  	v8 =	vld [tilespmem:s18+$0x6010];
	_ =	sdelay $0x4  }
0xaf: {  	vm1 =	veq.s32 v8, v0  }
0xb0: {  	v8 =	vsel vm1, $0x1, v2  }
0xb1: {  	(v2sf) =	vpush v7, $0xF;
	(xrf0) =	vadd.scan.msk.s32 $0xffff, v8;
	_ =	sdelay $0x5  }
0xb2: {  	v7, _, _ =	vpop (xrf0)  }
0xb3: {  	(v2sf) =	vpush v7, $0xF;
	_ =	sdelay $0x7  }
0xb4: {  	s30 =	spop (v2sf)  }
0xb5: {  	s0 =	sadd.s32 s17, s30  }
0xb6: {  	s1 =	sadd.s32 $0xFFFFFFFF, s0  }
0xb7: {  	v8 =	vld [tilespmem:s18+$0x2010];
	v7 =	vadd.s32 s1, v7  }
.Ltmp7:
0xb8: {  	_ = 	snop;
	(pc) =	sbr.rel .LBB2_15-.Ltmp7, $3  }
0xb9: {  	_ =	sdelay $0x1  }
0xba: {  	s31 =	spop (v2sf)  }
0xbb: {  	[tilespmem:v7+s12+$0x0] =	vst.idx.msk vm1, v8;
	s17 =	sadd.s32 s0, s31  }
.LBB2_4:
0xbc: {  	s19 =	simm.s32 $0x4010  }
0xbd: {  	v7 =	vld [tilespmem:s19+$0xFFFFFFF0];
	_ =	sdelay $0x1  }
0xbe: {  	p2 =	seq.s32 s5, $0x1  }
.Ltmp8:
0xbf: {  	_ = 	snop;
	(pc) =	sbr.rel @p2 .LBB2_5-.Ltmp8, $4  }
0xc0: {  	_ = 	snop  }
0xc1: {  	vm1 =	veq.s32 v7, v0  }
0xc2: {  	v7 =	vsel vm1, $0x1, v2  }
0xc3: {  	s18 =	simm.s32 $0x10;
	s20 =	sadd.s32 $0xFFFFFFFF, s5;
	p1 =	por $0x0, $0x0;
	(xrf0) =	vadd.scan.msk.s32 $0xffff, v7  }
0xc4: {  	_ =	sdelay $0x4  }
0xc5: {  	s0 =	sadd.s32 $0xFFFFFFFF, s17;
	v7, _, _ =	vpop (xrf0)  }
0xc6: {  	v8 =	vld [tilespmem:s18+$0xFFFFFFF0];
	v9 =	vadd.s32 s0, v7;
	_ =	sdelay $0x1  }
0xc7: {  	(v2sf) =	vpush v7, $0xF;
	_ =	sdelay $0x2  }
0xc8: {  	[tilespmem:v9+s12+$0x0] =	vst.idx.msk vm1, v8  }
0xc9: {  	v7 =	vld [tilespmem:s19+$0x0];
	_ =	sdelay $0x4  }
0xca: {  	vm1 =	veq.s32 v7, v0  }
0xcb: {  	v7 =	vsel vm1, $0x1, v2  }
0xcc: {  	(xrf0) =	vadd.scan.msk.s32 $0xffff, v7;
	_ =	sdelay $0x3  }
0xcd: {  	s31 =	spop (v2sf)  }
0xce: {  	s22 =	sadd.s32 s17, s31  }
0xcf: {  	s0 =	sadd.s32 $0xFFFFFFFF, s22;
	v7, _, _ =	vpop (xrf0)  }
0xd0: {  	v8 =	vld [tilespmem:s18+$0x0];
	(v2sf) =	vpush v7, $0xF;
	v7 =	vadd.s32 s0, v7;
	_ =	sdelay $0x4  }
0xd1: {  	s19 =	simm.s32 $0x4030;
	[tilespmem:v7+s12+$0x0] =	vst.idx.msk vm1, v8  }
0xd2: {  	v7 =	vld [tilespmem:s19+$0xFFFFFFF0];
	_ =	sdelay $0x3  }
0xd3: {  	p2 =	seq.s32 s20, $0x1  }
.Ltmp9:
0xd4: {  	vm1 =	veq.s32 v7, v0;
	(pc) =	sbr.rel @p2 .LBB2_7-.Ltmp9, $4  }
0xd5: {  	v7 =	vsel vm1, $0x1, v2  }
0xd6: {  	(xrf0) =	vadd.scan.msk.s32 $0xffff, v7  }
0xd7: {  	s21 =	sadd.s32 $0xFFFFFFFF, s20  }
0xd8: {  	p1 =	por $0x1, $0x1;
	s20 =	simm.s32 $0x10;
	s0 =	spop (v2sf)  }
.LBB2_8:
0xd9: {  	p2 =	seq.s32 s21, $0x1;
	s0 =	sadd.s32 s22, s0;
	s20 =	sadd.s32 $0x20, s20  }
0xda: {  	s21 =	sadd.s32 $0xFFFFFFFF, s21;
	_ =	sdelay $0x1  }
0xdb: {  	s1 =	sadd.s32 $0xFFFFFFFF, s0;
	v7, _, _ =	vpop (xrf0)  }
0xdc: {  	v8 =	vld [tilespmem:s20+$0xFFFFFFF0];
	v9 =	vadd.s32 s1, v7;
	(v2sf) =	vpush v7, $0xF;
	_ =	sdelay $0x4  }
0xdd: {  	[tilespmem:v9+s12+$0x0] =	vst.idx.msk vm1, v8  }
0xde: {  	v7 =	vld [tilespmem:s19+$0x0];
	_ =	sdelay $0x4  }
0xdf: {  	vm1 =	veq.s32 v7, v0  }
0xe0: {  	v7 =	vsel vm1, $0x1, v2  }
0xe1: {  	(xrf0) =	vadd.scan.msk.s32 $0xffff, v7;
	_ =	sdelay $0x1  }
0xe2: {  	s1 =	spop (v2sf);
	_ =	sdelay $0x2  }
0xe3: {  	s22 =	sadd.s32 s0, s1  }
0xe4: {  	s0 =	sadd.s32 $0xFFFFFFFF, s22;
	v7, _, _ =	vpop (xrf0)  }
0xe5: {  	v8 =	vld [tilespmem:s20+$0x0];
	v9 =	vadd.s32 s0, v7;
	(v2sf) =	vpush v7, $0xF;
	_ =	sdelay $0x4  }
0xe6: {  	s19 =	sadd.s32 $0x20, s19;
	[tilespmem:v9+s12+$0x0] =	vst.idx.msk vm1, v8  }
0xe7: {  	v7 =	vld [tilespmem:s19+$0xFFFFFFF0];
	_ =	sdelay $0x4  }
.Ltmp10:
0xe8: {  	vm1 =	veq.s32 v7, v0;
	(pc) =	sbr.rel @!p2 .LBB2_8-.Ltmp10, $3  }
0xe9: {  	v7 =	vsel vm1, $0x1, v2  }
0xea: {  	(xrf0) =	vadd.scan.msk.s32 $0xffff, v7;
	_ =	sdelay $0x1  }
0xeb: {  	s0 =	spop (v2sf)  }
.LBB2_9:
0xec: {  	_ = 	snop  }
0xed: {  	s0 =	sadd.s32 @p1 s22, s0  }
0xee: {  	s1 =	sadd.s32 @p1 $0x20, s20;
	s17 =	smov.u32 @p1 s0  }
0xef: {  	s18 =	smov.u32 @p1 s1;
	s0 =	sadd.s32 $0xFFFFFFFF, s17;
	v7, _, _ =	vpop (xrf0)  }
0xf0: {  	v8 =	vld [tilespmem:s18+$0xFFFFFFF0];
	v9 =	vadd.s32 s0, v7;
	_ =	sdelay $0x4  }
0xf1: {  	[tilespmem:v9+s12+$0x0] =	vst.idx.msk vm1, v8  }
0xf2: {  	v8 =	vld [tilespmem:s19+$0x0];
	_ =	sdelay $0x4  }
0xf3: {  	vm1 =	veq.s32 v8, v0  }
0xf4: {  	v8 =	vsel vm1, $0x1, v2  }
0xf5: {  	(v2sf) =	vpush v7, $0xF;
	(xrf0) =	vadd.scan.msk.s32 $0xffff, v8;
	_ =	sdelay $0x5  }
0xf6: {  	v7, _, _ =	vpop (xrf0)  }
0xf7: {  	(v2sf) =	vpush v7, $0xF;
	_ =	sdelay $0x7  }
0xf8: {  	s29 =	spop (v2sf)  }
0xf9: {  	s0 =	sadd.s32 s17, s29  }
0xfa: {  	s30 =	sadd.s32 $0xFFFFFFFF, s0  }
0xfb: {  	v8 =	vld [tilespmem:s18+$0x0];
	v7 =	vadd.s32 s30, v7;
	_ =	sdelay $0x3  }
0xfc: {  	s31 =	spop (v2sf)  }
0xfd: {  	[tilespmem:v7+s12+$0x0] =	vst.idx.msk vm1, v8;
	s17 =	sadd.s32 s0, s31  }
.LBB2_15:
0xfe: {  	s0 =	sadd.s32 $0xF, s16  }
0xff: {  	s1 =	sand.u32 $0xF, s0  }
0x100: {  	s31 =	sshra.s32 s0, $0x1F;
	p2 =	slt.s32 s0, $0x1;
	p1 =	sne.s32 s1, $0x0  }
0x101: {  	s1 =	sshrl.u32 s31, $0x1C;
	p1 =	por !p2, !p1  }
0x102: {  	s0 =	sadd.s32 s1, s0;
	s1 =	simm.s32 $0x1;
	p1 =	por !p1, !p1  }
0x103: {  	s0 =	sshra.s32 s0, $0x4;
	s1 =	simm.s32 @!p1 $0x0  }
0x104: {  	s18 =	ssub.s32 s0, s1  }
0x105: {  	p1 =	slt.s32 s18, $0x1  }
.Ltmp11:
0x106: {  	_ = 	snop;
	(pc) =	sbr.rel @p1 .LBB2_23-.Ltmp11, $4  }
0x107: {  	_ = 	snop  }
0x108: {  	[tilespmem:s17+$0x8000] =	vst v3  }
0x109: {  	[tilespmem:s17+$0x8010] =	vst v3  }
0x10a: {  	v29 =	vimm.f32 $0.0e+00;
	[tilespmem:s16+$0xC040] =	vst v4  }
0x10b: {  	s0 =	sadd.s32 $0x1F, s17  }
0x10c: {  	s1 =	sand.u32 $0x1F, s0;
	s31 =	sshra.s32 s0, $0x1F  }
.Ltmp12:
0x10d: {  	p2 =	slt.s32 s0, $0x1;
	p1 =	sne.s32 s1, $0x0;
	(pc) =	sbr.rel .LBB2_17-.Ltmp12, $4  }
0x10e: {  	s1 =	sshrl.u32 s31, $0x1B;
	p1 =	por !p2, !p1  }
0x10f: {  	v8 =	vimm.f32 $0.0e+00;
	s0 =	sadd.s32 s1, s0;
	s1 =	simm.s32 $0x1;
	p1 =	por !p1, !p1  }
0x110: {  	v9 =	vimm.f32 $0.0e+00;
	v34 =	vimm.f32 $0.0e+00;
	v32 =	vimm.f32 $0.0e+00;
	s0 =	sshra.s32 s0, $0x5;
	s1 =	simm.s32 @!p1 $0x0  }
0x111: {  	s20 =	simm.s32 $0x0;
	v11 =	vimm.f32 $0.0e+00;
	v7 =	vimm.f32 $0.0e+00;
	v35 =	vimm.f32 $0.0e+00;
	s19 =	ssub.s32 s0, s1  }
.LBB2_20:
0x112: {  	v12 =	vmax.f32 v34, $0.0e+00;
	v34 =	vadd.f32 v44, v45;
	v13 =	vadd.f32 v18, v21  }
0x113: {  	v14 =	vadd.f32 v41, v35;
	v15 =	vmax.f32 v43, $0.0e+00;
	v62 =	vadd.f32 v29, v38  }
0x114: {  	v16 =	vmax.f32 v32, $0.0e+00;
	v9 =	vadd.f32 v42, v9;
	v8 =	vadd.f32 v30, v8  }
0x115: {  	v10 =	vadd.f32 v18, v10;
	v17 =	vmax.f32 v28, $0.0e+00;
	v35 =	vadd.f32 v40, v15  }
0x116: {  	v63 =	vmax.f32 v33, $0.0e+00;
	v9 =	vadd.f32 v9, v37;
	v8 =	vadd.f32 v8, v16  }
0x117: {  	v14 =	vadd.f32 v14, v39;
	v10 =	vmax.f32 v10, $0.0e+00;
	v15 =	vadd.f32 v62, v36  }
0x118: {  	v13 =	vmax.f32 v13, $0.0e+00;
	v9 =	vadd.f32 v9, v10;
	v8 =	vadd.f32 v8, v12  }
0x119: {  	v32 =	vadd.f32 v14, v63;
	v29 =	vadd.f32 v15, v13;
	v10 =	vmax.f32 v31, $0.0e+00  }
0x11a: {  	v8 =	vadd.f32 v8, v10;
	v9 =	vadd.f32 v9, v17  }
.LBB2_21:
0x11b: {  	s20 =	sadd.s32 $0x1, s20  }
0x11c: {  	p1 =	sne.s32 s20, s18  }
.Ltmp13:
0x11d: {  	_ = 	snop;
	(pc) =	sbr.rel @!p1 .LBB2_22-.Ltmp13, $1  }
0x11e: {  	_ =	sdelay $0x3  }
.LBB2_17:
0x11f: {  	s0 =	sshll.u32 s20, $0x6  }
0x120: {  	s0 =	sshra.s32 s0, $0x2  }
0x121: {  	v10 =	vld [tilespmem:s0+$0xC040];
	_ =	sdelay $0x4  }
0x122: {  	(v2sf) =	vpush v10, $0x0  }
0x123: {  	(v2sf) =	vpush v10, $0x1  }
0x124: {  	(v2sf) =	vpush v10, $0x2  }
0x125: {  	(v2sf) =	vpush v10, $0x3  }
0x126: {  	(v2sf) =	vpush v10, $0x4  }
0x127: {  	(v2sf) =	vpush v10, $0x5  }
0x128: {  	(v2sf) =	vpush v10, $0x6  }
0x129: {  	(v2sf) =	vpush v10, $0x7  }
0x12a: {  	(v2sf) =	vpush v10, $0x8  }
0x12b: {  	(v2sf) =	vpush v10, $0x9  }
0x12c: {  	(v2sf) =	vpush v10, $0xA  }
0x12d: {  	(v2sf) =	vpush v10, $0xB  }
0x12e: {  	(v2sf) =	vpush v10, $0xC  }
0x12f: {  	(v2sf) =	vpush v10, $0xD  }
0x130: {  	(v2sf) =	vpush v10, $0xE  }
0x131: {  	s29 =	spop (v2sf);
	(v2sf) =	vpush v10, $0xF  }
0x132: {  	s31 =	spop (v2sf)  }
0x133: {  	s0 =	spop (v2sf)  }
0x134: {  	s1 =	spop (v2sf)  }
0x135: {  	s2 =	spop (v2sf)  }
0x136: {  	s11 =	spop (v2sf)  }
0x137: {  	s13 =	spop (v2sf)  }
0x138: {  	s14 =	spop (v2sf)  }
0x139: {  	s30 =	spop (v2sf)  }
0x13a: {  	s28 =	spop (v2sf)  }
0x13b: {  	p1 =	slt.s32 s19, $0x1;
	s26 =	spop (v2sf)  }
.Ltmp14:
0x13c: {  	s25 =	spop (v2sf);
	(pc) =	sbr.rel @p1 .LBB2_21-.Ltmp14, $4  }
0x13d: {  	s24 =	spop (v2sf)  }
0x13e: {  	s22 =	spop (v2sf)  }
0x13f: {  	s23 =	spop (v2sf)  }
0x140: {  	s21 =	spop (v2sf)  }
0x141: {  	s29 =	ssub.f32 $1.000000000e+00, s29  }
0x142: {  	s0 =	ssub.f32 $1.000000000e+00, s0  }
0x143: {  	s1 =	ssub.f32 $1.000000000e+00, s1  }
0x144: {  	s2 =	ssub.f32 $1.000000000e+00, s2;
	v43 =	vld [tilespmem:s4+$0xFFFFFFF0]  }
0x145: {  	s13 =	ssub.f32 $1.000000000e+00, s13  }
0x146: {  	s30 =	ssub.f32 $1.000000000e+00, s30;
	v18 =	vld [tilespmem:s4+$0x0]  }
0x147: {  	s28 =	ssub.f32 $1.000000000e+00, s28;
	v12 =	vmov s29;
	v13 =	vmov s0  }
0x148: {  	v14 =	vmov s1;
	v15 =	vmov s2;
	s2 =	ssub.f32 $1.000000000e+00, s25;
	v17 =	vmov s13  }
0x149: {  	s25 =	ssub.f32 $1.000000000e+00, s24;
	v20 =	vmov s30;
	v25 =	vadd.f32 v43, v13;
	v30 =	vadd.f32 v43, v12  }
0x14a: {  	s26 =	ssub.f32 $1.000000000e+00, s26;
	v22 =	vmov s28;
	v27 =	vadd.f32 v43, v15;
	v31 =	vadd.f32 v43, v17  }
0x14b: {  	v24 =	vmov s25;
	v28 =	vadd.f32 v18, v22;
	v33 =	vadd.f32 v43, v20  }
0x14c: {  	s14 =	ssub.f32 $1.000000000e+00, s14;
	v23 =	vmov s26;
	v37 =	vadd.f32 v43, v24;
	v56 =	vadd.f32 v18, v17  }
0x14d: {  	s31 =	ssub.f32 $1.000000000e+00, s31;
	v21 =	vmov s2;
	v39 =	vadd.f32 v43, v23;
	v41 =	vadd.f32 v43, v22  }
0x14e: {  	s11 =	ssub.f32 $1.000000000e+00, s11;
	v19 =	vmov s14;
	v57 =	vadd.f32 v18, v15;
	v59 =	vadd.f32 v43, v21  }
0x14f: {  	v10 =	vmov s31;
	s29 =	ssub.f32 $1.000000000e+00, s22;
	v42 =	vadd.f32 v18, v19;
	v46 =	vadd.f32 v18, v14  }
0x150: {  	v16 =	vmov s11;
	s31 =	ssub.f32 $1.000000000e+00, s21;
	v48 =	vadd.f32 v18, v12;
	v49 =	vadd.f32 v18, v20  }
0x151: {  	v50 =	vadd.f32 v43, v16;
	v52 =	vadd.f32 v43, v14;
	v26 =	vmax.f32 v25, $0.0e+00  }
0x152: {  	v25 =	vmov s29;
	v38 =	vmax.f32 v27, $0.0e+00;
	v27 =	vmov s31  }
0x153: {  	v37 =	vmax.f32 v37, $0.0e+00;
	v40 =	vmax.f32 v30, $0.0e+00;
	v58 =	vmax.f32 v39, $0.0e+00  }
0x154: {  	v30 =	vmax.f32 v31, $0.0e+00;
	v60 =	vmax.f32 v56, $0.0e+00;
	v62 =	vmax.f32 v33, $0.0e+00  }
0x155: {  	s30 =	ssub.f32 $1.000000000e+00, s23;
	v63 =	vmax.f32 v57, $0.0e+00;
	v57 =	vadd.f32 v43, v10;
	v11 =	vadd.f32 v26, v11  }
0x156: {  	v48 =	vmax.f32 v48, $0.0e+00;
	v36 =	vadd.f32 v43, v25;
	v45 =	vadd.f32 v18, v25  }
0x157: {  	v26 =	vmov s30;
	v34 =	vadd.f32 v38, v34;
	v31 =	vadd.f32 v40, v35  }
0x158: {  	v33 =	vadd.f32 v18, v27;
	v35 =	vmax.f32 v59, $0.0e+00;
	v59 =	vadd.f32 v18, v16  }
0x159: {  	v39 =	vmax.f32 v42, $0.0e+00;
	v51 =	vadd.f32 v43, v27;
	v61 =	vadd.f32 v18, v26  }
0x15a: {  	v42 =	vmax.f32 v50, $0.0e+00;
	v44 =	vadd.f32 v34, v37;
	v11 =	vadd.f32 v11, v58  }
0x15b: {  	v38 =	vmax.f32 v57, $0.0e+00;
	v47 =	vadd.f32 v31, v62;
	v31 =	vadd.f32 v18, v23  }
0x15c: {  	v34 =	vadd.f32 v18, v13;
	v37 =	vmax.f32 v36, $0.0e+00;
	v7 =	vadd.f32 v38, v7  }
0x15d: {  	v36 =	vmax.f32 v46, $0.0e+00;
	v11 =	vadd.f32 v11, v60;
	v60 =	vmax.f32 v41, $0.0e+00  }
0x15e: {  	p1 =	sne.s32 s19, $0x1;
	v58 =	vadd.f32 v43, v19;
	v62 =	vmax.f32 v59, $0.0e+00;
	v7 =	vadd.f32 v7, v60  }
.Ltmp15:
0x15f: {  	v56 =	vmax.f32 v61, $0.0e+00;
	v61 =	vmax.f32 v52, $0.0e+00;
	v40 =	vadd.f32 v47, v63;
	(pc) =	sbr.rel @!p1 .LBB2_20-.Ltmp15, $4  }
0x160: {  	v38 =	vmax.f32 v51, $0.0e+00;
	v41 =	vadd.f32 v61, v32;
	v7 =	vadd.f32 v7, v62  }
0x161: {  	v32 =	vadd.f32 v43, v26;
	v44 =	vadd.f32 v44, v48;
	v63 =	vmax.f32 v45, $0.0e+00  }
0x162: {  	v53 =	vmax.f32 v58, $0.0e+00;
	v11 =	vadd.f32 v11, v56;
	v7 =	vadd.f32 v7, v63  }
0x163: {  	s21 =	sadd.s32 $0xFFFFFFFF, s19;
	s22 =	simm.s32 $0x8030;
	v45 =	vmax.f32 v49, $0.0e+00;
	v43 =	vadd.f32 v18, v24;
	v29 =	vadd.f32 v53, v29  }
.LBB2_19:
0x164: {  	v46 =	vld [tilespmem:s22+$0xFFFFFFF0];
	p1 =	sne.s32 s21, $0x1;
	s21 =	sadd.s32 $0xFFFFFFFF, s21;
	v34 =	vmax.f32 v34, $0.0e+00;
	v44 =	vadd.f32 v44, v45;
	v45 =	vadd.f32 v18, v21  }
0x165: {  	v9 =	vadd.f32 v42, v9;
	v35 =	vadd.f32 v41, v35;
	v41 =	vmax.f32 v43, $0.0e+00;
	v47 =	vld [tilespmem:s22+$0x0]  }
0x166: {  	v8 =	vadd.f32 v30, v8;
	v40 =	vadd.f32 v40, v41;
	v42 =	vmax.f32 v45, $0.0e+00  }
0x167: {  	v29 =	vadd.f32 v29, v38;
	v9 =	vadd.f32 v9, v37;
	v37 =	vmax.f32 v28, $0.0e+00  }
0x168: {  	v38 =	vadd.f32 v18, v10;
	v28 =	vmax.f32 v32, $0.0e+00;
	v30 =	vadd.f32 v35, v39  }
0x169: {  	v8 =	vadd.f32 v8, v28;
	v28 =	vmax.f32 v33, $0.0e+00;
	v32 =	vadd.f32 v46, v12  }
0x16a: {  	v35 =	vmax.f32 v38, $0.0e+00;
	v29 =	vadd.f32 v29, v36;
	v33 =	vadd.f32 v46, v13;
	v18 =	vmovc v47  }
0x16b: {  	v9 =	vadd.f32 v9, v35;
	v36 =	vadd.f32 v46, v15;
	v32 =	vmax.f32 v32, $0.0e+00  }
0x16c: {  	v41 =	vadd.f32 v30, v28;
	v35 =	vadd.f32 v46, v17;
	v33 =	vmax.f32 v33, $0.0e+00  }
0x16d: {  	v8 =	vadd.f32 v8, v34;
	v11 =	vadd.f32 v33, v11  }
0x16e: {  	v34 =	vadd.f32 v46, v25;
	v30 =	vmax.f32 v35, $0.0e+00;
	v28 =	vadd.f32 v18, v22  }
0x16f: {  	v43 =	vadd.f32 v18, v25;
	v33 =	vadd.f32 v46, v20  }
0x170: {  	v31 =	vmax.f32 v31, $0.0e+00;
	v29 =	vadd.f32 v29, v42;
	v35 =	vadd.f32 v46, v24  }
0x171: {  	v36 =	vmax.f32 v36, $0.0e+00;
	v38 =	vadd.f32 v18, v17;
	v8 =	vadd.f32 v8, v31  }
0x172: {  	v9 =	vadd.f32 v9, v37;
	v31 =	vadd.f32 v36, v44  }
0x173: {  	v39 =	vadd.f32 v46, v22;
	v36 =	vadd.f32 v46, v23;
	v35 =	vmax.f32 v35, $0.0e+00  }
0x174: {  	v44 =	vadd.f32 v31, v35;
	v31 =	vadd.f32 v18, v15  }
0x175: {  	v42 =	vadd.f32 v18, v19;
	v35 =	vmax.f32 v36, $0.0e+00;
	v36 =	vadd.f32 v46, v21  }
0x176: {  	v45 =	vadd.f32 v18, v14;
	v11 =	vadd.f32 v11, v35;
	v47 =	vmax.f32 v31, $0.0e+00  }
0x177: {  	v35 =	vadd.f32 v18, v26;
	v31 =	vadd.f32 v32, v40;
	v32 =	vmax.f32 v38, $0.0e+00  }
0x178: {  	v37 =	vmax.f32 v33, $0.0e+00;
	v33 =	vadd.f32 v18, v27;
	v11 =	vadd.f32 v11, v32  }
0x179: {  	v40 =	vadd.f32 v18, v12;
	v32 =	vadd.f32 v31, v37;
	v37 =	vmax.f32 v35, $0.0e+00  }
0x17a: {  	v35 =	vmax.f32 v36, $0.0e+00;
	v31 =	vadd.f32 v18, v23;
	v11 =	vadd.f32 v11, v37  }
0x17b: {  	v48 =	vadd.f32 v18, v20;
	v37 =	vmax.f32 v34, $0.0e+00;
	v34 =	vadd.f32 v18, v13  }
0x17c: {  	v49 =	vadd.f32 v46, v16;
	v38 =	vadd.f32 v46, v10;
	v36 =	vmax.f32 v45, $0.0e+00  }
0x17d: {  	v50 =	vadd.f32 v18, v16;
	v45 =	vadd.f32 v46, v19  }
0x17e: {  	v51 =	vadd.f32 v46, v14;
	v52 =	vadd.f32 v46, v27;
	v38 =	vmax.f32 v38, $0.0e+00  }
0x17f: {  	v39 =	vmax.f32 v39, $0.0e+00;
	v7 =	vadd.f32 v38, v7;
	v45 =	vmax.f32 v45, $0.0e+00  }
0x180: {  	v38 =	vmax.f32 v52, $0.0e+00;
	v52 =	vmax.f32 v40, $0.0e+00;
	v40 =	vadd.f32 v32, v47  }
.Ltmp16:
0x181: {  	v32 =	vmax.f32 v51, $0.0e+00;
	v7 =	vadd.f32 v7, v39;
	v39 =	vmax.f32 v42, $0.0e+00;
	(pc) =	sbr.rel @p1 .LBB2_19-.Ltmp16, $4  }
0x182: {  	v41 =	vadd.f32 v32, v41;
	v42 =	vmax.f32 v49, $0.0e+00;
	v32 =	vmax.f32 v50, $0.0e+00  }
0x183: {  	v29 =	vadd.f32 v45, v29;
	v7 =	vadd.f32 v7, v32  }
0x184: {  	v44 =	vadd.f32 v44, v52;
	v32 =	vadd.f32 v46, v26;
	v46 =	vmax.f32 v43, $0.0e+00  }
0x185: {  	s22 =	sadd.s32 $0x20, s22;
	v45 =	vmax.f32 v48, $0.0e+00;
	v43 =	vadd.f32 v18, v24;
	v7 =	vadd.f32 v7, v46  }
.Ltmp17:
0x186: {  	_ = 	snop;
	(pc) =	sbr.rel .LBB2_20-.Ltmp17, $1  }
0x187: {  	_ =	sdelay $0x3  }
.LBB2_11:
.Ltmp18:
0x188: {  	(pc) =	sbr.rel .LBB2_14-.Ltmp18, $2  }
0x189: {  	_ =	sdelay $0x2  }
0x18a: {  	_ = 	snop  }
.LBB2_5:
.Ltmp19:
0x18b: {  	(pc) =	sbr.rel .LBB2_9-.Ltmp19, $2  }
0x18c: {  	_ =	sdelay $0x2  }
0x18d: {  	s20 =	simm.s32 $0x10  }
.LBB2_7:
.Ltmp20:
0x18e: {  	(pc) =	sbr.rel .LBB2_9-.Ltmp20, $2  }
0x18f: {  	_ =	sdelay $0x2  }
0x190: {  	s20 =	simm.s32 $0x10  }
.LBB2_24:
0x191: {  	_ =	sfence.sel $0x180000  }
0x192: {  	[bflag:$0x0] =	sbarrier.arrive $0xFFFF  }
0x193: {  	_ =	strace $0x90000047  }
0x194: {  	s0 =	stileid.u32;
	[bflag:$0x2] =	sbarrier.arrive $0xFFFF  }
0x195: {  	p0 =	sne.s32 s0, $0x0;
	s0 =	rddreg [dreg:$0x2]  }
0x196: {  	s0 =	sadd.s32 @!p0 $0x100000, s0  }
0x197: {  	[sflag:s0] =	ssyncadd.tile.s32 @!p0 $0x1;
	_ =	shalt  }
.Lfunc_end2:
_tile_overlayer_lowered:
.L_overlay_start_2:
0x198: {  	(tag) =	ssettag $0x2  }
0x199: {  	s0 =	rddreg [dreg:$0x0];
	s2 =	stileid.u32  }
0x19a: {  	s1 =	rddreg [dreg:$0x1];
	p0 =	sne.s32 s2, $0x0  }
0x19b: {  	s3 =	rddreg [dreg:$0x2];
	[bflag:$0x3] =	sbarrier.arrive $0xFFFF;
	s2 =	simm.s32 @!p0 $0x1C01  }
0x19c: {  	[timem:s3], [sflag:s2] =	dma.local @!p0 [hbm:s0], s1  }
0x19d: {  	s0 =	simm.s32 @!p0 $0x1  }
0x19e: {  	_ =	swait.ge @!p0 [sflag:s0], s1  }
0x19f: {  	s1 =	ssub.s32 @!p0 $0x0, s1;
	[sflag:s0] =	ssyncset.done @!p0 $0x0  }
0x1a0: {  	[sflag:s0] =	ssyncadd.s32 @!p0 s1  }
0x1a1: {  	[bflag:$0x3] =	sbarrier.arrive $0xFFFF  }
0x1a2: {  	_ =	shalt  }

</sc_bundles>
